<compile_context>
chip_gen: v7x
topology: tpu7x:2x2x1
jax: 0.10.2.dev20260603
libtpu: 0.0.44.dev20260713+nightly
codegen_flags: <defaults>
</compile_context>

<pallas_src>
import functools

import jax
import jax.numpy as jnp
from jax import lax
from jax.experimental import pallas as pl
from jax.experimental.pallas import tpu as pltpu
from jax.experimental.pallas import tpu_sc as plsc

R, C = 4096, 2048
F = 1024
NC, NS = 2, 16
NW = NC * NS
ROWS_PER_W = F // NW
G = 16
NG = ROWS_PER_W // G
L = 16
CHUNKS = C // L



def _scan_rows(buf, idx_last):

    def row_body(r, _):
        def chunk_body(k, carry):
            v = buf[r, pl.ds(k * L, L)]
            s = plsc.cumsum(v)
            t = s.at[idx_last].get(mode="promise_in_bounds")
            buf[r, pl.ds(k * L, L)] = s + carry
            return carry + t

        lax.fori_loop(0, CHUNKS, chunk_body, jnp.zeros((L,), jnp.float32),
                      unroll=8)
        return 0

    lax.fori_loop(0, G, row_body, 0)


def _sc_body(x_hbm, out_hbm, buf_a, buf_b, isem_a, isem_b, osem_a, osem_b):
    wid = lax.axis_index("s") * NC + lax.axis_index("c")
    base = wid * ROWS_PER_W
    idx_last = jnp.full((L,), L - 1, jnp.int32)
    bufs = (buf_a, buf_b)
    isems = (isem_a, isem_b)
    osems = (osem_a, osem_b)

    def in_copy(g, s):
        return pltpu.make_async_copy(
            x_hbm.at[pl.ds(base + g * G, G), :], bufs[s], isems[s])

    def out_copy(g, s):
        return pltpu.make_async_copy(
            bufs[s], out_hbm.at[pl.ds(base + g * G, G), :], osems[s])

    in_copy(0, 0).start()
    for g in range(NG):
        s = g % 2
        in_copy(g, s).wait()
        if g + 1 < NG:
            if g >= 1:
                out_copy(g - 1, 1 - s).wait()
            in_copy(g + 1, 1 - s).start()
        _scan_rows(bufs[s], idx_last)
        out_copy(g, s).start()
    out_copy(NG - 2, (NG - 2) % 2).wait()
    out_copy(NG - 1, (NG - 1) % 2).wait()


def _sc_scan(x):
    mesh = plsc.VectorSubcoreMesh(
        core_axis_name="c", subcore_axis_name="s", num_cores=NC, num_subcores=NS
    )
    scan = functools.partial(
        pl.kernel,
        out_type=jax.ShapeDtypeStruct((F, C), jnp.float32),
        mesh=mesh,
        scratch_types=[
            pltpu.VMEM((G, C), jnp.float32),
            pltpu.VMEM((G, C), jnp.float32),
            pltpu.SemaphoreType.DMA,
            pltpu.SemaphoreType.DMA,
            pltpu.SemaphoreType.DMA,
            pltpu.SemaphoreType.DMA,
        ],
        compiler_params=pltpu.CompilerParams(needs_layout_passes=False),
    )(_sc_body)
    return scan(x)



BM = 512
SEG = 256
NSEG = C // SEG


def _tc_body(x_ref, o_ref):
    u = jnp.triu(jnp.ones((SEG, SEG), jnp.float32))
    running = jnp.zeros((BM, 1), jnp.float32)
    for t in range(NSEG):
        seg = x_ref[:, t * SEG:(t + 1) * SEG]
        within = jax.lax.dot(seg, u, preferred_element_type=jnp.float32)
        o_ref[:, t * SEG:(t + 1) * SEG] = within + running
        running = running + within[:, SEG - 1:SEG]


def _tc_scan(x):
    nblk = (R - F) // BM
    return pl.pallas_call(
        _tc_body,
        grid=(nblk,),
        in_specs=[pl.BlockSpec((BM, C), lambda i: (F // BM + i, 0))],
        out_specs=pl.BlockSpec((BM, C), lambda i: (F // BM + i, 0)),
        out_shape=jax.ShapeDtypeStruct((R, C), jnp.float32),
        compiler_params=pltpu.CompilerParams(
            dimension_semantics=("arbitrary",)),
    )(x)


def kernel(x):
    sc_out = _sc_scan(x)
    tc_full = _tc_scan(x)
    return lax.dynamic_update_slice(tc_full, sc_out, (0, 0))

# --- scband reference (transcript-rebuilt; emitter-appended) ---
"""Pipeline reference for scband-model-new-4810363371956 (READ-ONLY COPY).

The authoritative reference and input builder live on the scoring server;
editing this copy changes nothing except your own understanding.
"""

import jax, jax.numpy as jnp
import numpy as np


def setup_inputs(seed: int = 0) -> dict:
    key = jax.random.key(seed)
    x = jax.random.normal(key, (4096, 2048), dtype=jnp.float32)
    return {"x": x}


def reference(x):
    # The custom CUDA kernel implements an inclusive scan (cumulative sum)
    # along dim=1 (one block per row, Hillis-Steele style in shared memory).
    return jnp.cumsum(x, axis=1)

if __name__ == "__main__":
    import jax
    _d = setup_inputs()
    print(jax.jit(kernel)(*tuple(_d.values())))

</pallas_src>

<mosaic_0001>
#map = affine_map<(d0, d1) -> (0, 0)>
module attributes {stable_mosaic.version = 14 : i64} {
  func.func @_sc_body(%arg0: i32, %arg1: i32, %arg2: memref<4096x2048xf32, #tpu.memory_space<hbm>>, %arg3: memref<1024x2048xf32, #tpu.memory_space<hbm>>, %arg4: memref<16x2048xf32, #tpu.memory_space<vmem>>, %arg5: memref<16x2048xf32, #tpu.memory_space<vmem>>, %arg6: memref<!tpu.dma_semaphore, #tpu.memory_space<semaphore_mem>>, %arg7: memref<!tpu.dma_semaphore, #tpu.memory_space<semaphore_mem>>, %arg8: memref<!tpu.dma_semaphore, #tpu.memory_space<semaphore_mem>>, %arg9: memref<!tpu.dma_semaphore, #tpu.memory_space<semaphore_mem>>) attributes {dimension_semantics = [#tpu.dimension_semantics<core_parallel>, #tpu.dimension_semantics<subcore_parallel>], iteration_bounds = array<i64: 2, 16>, scalar_prefetch = 0 : i64, scratch_operands = 6 : i64, tpu.core_type = #tpu.core_type<sc_vector_subcore>, window_params = [{transform_indices = #map}, {transform_indices = #map}]} {
    %mul3A = arith.constant 2 : i32
    %mul3A_0 = arith.muli %arg1, %mul3A : i32
    %add3A = arith.addi %mul3A_0, %arg0 : i32
    %mul3A_1 = arith.constant 32 : i32
    %mul3A_2 = arith.muli %add3A, %mul3A_1 : i32
    %broadcast_in_dim3A = arith.constant 15 : i32
    %broadcast_in_dim3A_3 = vector.broadcast %broadcast_in_dim3A : i32 to vector<16xi32>
    %add3A_4 = arith.constant 0 : i32
    %add3A_5 = arith.addi %mul3A_2, %add3A_4 : i32
    %dma_start3A = arith.constant 0 : i32
    %dma_start3A_6 = tpu.memref_slice %arg2[%add3A_5, %dma_start3A] : memref<4096x2048xf32, #tpu.memory_space<hbm>> -> memref<16x2048xf32, #tpu.memory_space<hbm>>
    %dma_start3A_7 = arith.constant 0 : i32
    %dma_start3A_8 = tpu.memref_slice %arg2[%add3A_5, %dma_start3A_7] : memref<4096x2048xf32, #tpu.memory_space<hbm>> -> memref<16x2048xf32, #tpu.memory_space<hbm>>
    tpu.enqueue_dma source(%dma_start3A_8 : memref<16x2048xf32, #tpu.memory_space<hbm>>) target(%arg4 : memref<16x2048xf32, #tpu.memory_space<vmem>>) target_semaphore(%arg6 : memref<!tpu.dma_semaphore, #tpu.memory_space<semaphore_mem>>)
    %add3A_9 = arith.constant 0 : i32
    %add3A_10 = arith.addi %mul3A_2, %add3A_9 : i32
    %dma_wait3A = arith.constant 0 : i32
    %dma_wait3A_11 = tpu.memref_slice %arg2[%add3A_10, %dma_wait3A] : memref<4096x2048xf32, #tpu.memory_space<hbm>> -> memref<16x2048xf32, #tpu.memory_space<hbm>>
    %dma_wait3A_12 = arith.constant 0 : i32
    %dma_wait3A_13 = tpu.memref_slice %arg2[%add3A_10, %dma_wait3A_12] : memref<4096x2048xf32, #tpu.memory_space<hbm>> -> memref<16x2048xf32, #tpu.memory_space<hbm>>
    tpu.wait_dma2 semaphore(%arg6 : memref<!tpu.dma_semaphore, #tpu.memory_space<semaphore_mem>>) src(%dma_wait3A_13 : memref<16x2048xf32, #tpu.memory_space<hbm>>) dst(%arg4 : memref<16x2048xf32, #tpu.memory_space<vmem>>)
    %add3A_14 = arith.constant 16 : i32
    %add3A_15 = arith.addi %mul3A_2, %add3A_14 : i32
    %dma_start3A_16 = arith.constant 0 : i32
    %dma_start3A_17 = tpu.memref_slice %arg2[%add3A_15, %dma_start3A_16] : memref<4096x2048xf32, #tpu.memory_space<hbm>> -> memref<16x2048xf32, #tpu.memory_space<hbm>>
    %dma_start3A_18 = arith.constant 0 : i32
    %dma_start3A_19 = tpu.memref_slice %arg2[%add3A_15, %dma_start3A_18] : memref<4096x2048xf32, #tpu.memory_space<hbm>> -> memref<16x2048xf32, #tpu.memory_space<hbm>>
    tpu.enqueue_dma source(%dma_start3A_19 : memref<16x2048xf32, #tpu.memory_space<hbm>>) target(%arg5 : memref<16x2048xf32, #tpu.memory_space<vmem>>) target_semaphore(%arg7 : memref<!tpu.dma_semaphore, #tpu.memory_space<semaphore_mem>>)
    %scan3A = arith.constant 0 : i32
    %scan3A_20 = arith.constant 0 : i32
    %scan3A_21 = arith.constant 16 : i32
    %scan3A_22 = arith.addi %scan3A_20, %scan3A_21 : i32
    %scan3A_23 = arith.constant 1 : i32
    %scan3A_24 = scf.for %scan3A_63 = %scan3A_20 to %scan3A_22 step %scan3A_23 iter_args(%scan3A_64 = %scan3A) -> (i32)  : i32 {
      %broadcast_in_dim3A_65 = arith.constant 0.000000e+00 : f32
      %broadcast_in_dim3A_66 = vector.broadcast %broadcast_in_dim3A_65 : f32 to vector<16xf32>
      %scan3A_67 = arith.constant 0 : i32
      %scan3A_68 = arith.constant 128 : i32
      %scan3A_69 = arith.addi %scan3A_67, %scan3A_68 : i32
      %scan3A_70 = arith.constant 8 : i32
      %scan3A_71 = scf.for %scan3A_74 = %scan3A_67 to %scan3A_69 step %scan3A_70 iter_args(%scan3A_75 = %broadcast_in_dim3A_66) -> (vector<16xf32>)  : i32 {
        %mul3A_76 = arith.constant 16 : i32
        %mul3A_77 = arith.muli %scan3A_74, %mul3A_76 : i32
        %get3A = arith.index_cast %scan3A_63 : i32 to index
        %get3A_78 = arith.index_cast %mul3A_77 : i32 to index
        %get3A_79 = tpu.vector_load %arg4[%get3A, %get3A_78] {strides = array<i32>} : memref<16x2048xf32, #tpu.memory_space<vmem>>, vector<16xf32>,
        %broadcast_in_dim3A_80 = arith.constant true
        %broadcast_in_dim3A_81 = vector.broadcast %broadcast_in_dim3A_80 : i1 to vector<16xi1>
        %masked_cumsum3A = tpu.scan <sum>, %get3A_79 masked %broadcast_in_dim3A_81 : vector<16xf32>, vector<16xi1> -> vector<16xf32>
        %lt3A = arith.constant 0 : i32
        %lt3A_82 = vector.broadcast %lt3A : i32 to vector<16xi32>
        %lt3A_83 = arith.cmpi slt, %broadcast_in_dim3A_3, %lt3A_82 : vector<16xi32>
        %add3A_84 = arith.constant 16 : i32
        %add3A_85 = vector.broadcast %add3A_84 : i32 to vector<16xi32>
        %add3A_86 = arith.addi %broadcast_in_dim3A_3, %add3A_85 : vector<16xi32>
        %select_n3A = arith.select %lt3A_83, %add3A_86, %broadcast_in_dim3A_3 : vector<16xi1>, vector<16xi32>
        %broadcast_in_dim3A_87 = vector.shape_cast %select_n3A : vector<16xi32> to vector<16x1xi32>
        %gather3A = vector.shape_cast %broadcast_in_dim3A_87 : vector<16x1xi32> to vector<16xi32>
        %gather3A_88 = tpu.dynamic_gather %masked_cumsum3A[%gather3A] in [0] : vector<16xf32>, vector<16xi32> -> vector<16xf32>
        %add3A_89 = arith.addf %masked_cumsum3A, %scan3A_75 : vector<16xf32>
        %mul3A_90 = arith.constant 16 : i32
        %mul3A_91 = arith.muli %scan3A_74, %mul3A_90 : i32
        %swap3A = arith.index_cast %scan3A_63 : i32 to index
        %swap3A_92 = arith.index_cast %mul3A_91 : i32 to index
        %swap3A_93 = tpu.vector_load %arg4[%swap3A, %swap3A_92] {strides = array<i32>} : memref<16x2048xf32, #tpu.memory_space<vmem>>, vector<16xf32>,
        tpu.vector_store %arg4[%swap3A, %swap3A_92], %add3A_89 {strides = array<i32>} : memref<16x2048xf32, #tpu.memory_space<vmem>>, vector<16xf32>,
        %add3A_94 = arith.addf %scan3A_75, %gather3A_88 : vector<16xf32>
        %scan3A_95 = arith.constant 1 : i32
        %scan3A_96 = arith.addi %scan3A_74, %scan3A_95 : i32
        %mul3A_97 = arith.constant 16 : i32
        %mul3A_98 = arith.muli %scan3A_96, %mul3A_97 : i32
        %get3A_99 = arith.index_cast %scan3A_63 : i32 to index
        %get3A_100 = arith.index_cast %mul3A_98 : i32 to index
        %get3A_101 = tpu.vector_load %arg4[%get3A_99, %get3A_100] {strides = array<i32>} : memref<16x2048xf32, #tpu.memory_space<vmem>>, vector<16xf32>,
        %broadcast_in_dim3A_102 = arith.constant true
        %broadcast_in_dim3A_103 = vector.broadcast %broadcast_in_dim3A_102 : i1 to vector<16xi1>
        %masked_cumsum3A_104 = tpu.scan <sum>, %get3A_101 masked %broadcast_in_dim3A_103 : vector<16xf32>, vector<16xi1> -> vector<16xf32>
        %lt3A_105 = arith.constant 0 : i32
        %lt3A_106 = vector.broadcast %lt3A_105 : i32 to vector<16xi32>
        %lt3A_107 = arith.cmpi slt, %broadcast_in_dim3A_3, %lt3A_106 : vector<16xi32>
        %add3A_108 = arith.constant 16 : i32
        %add3A_109 = vector.broadcast %add3A_108 : i32 to vector<16xi32>
        %add3A_110 = arith.addi %broadcast_in_dim3A_3, %add3A_109 : vector<16xi32>
        %select_n3A_111 = arith.select %lt3A_107, %add3A_110, %broadcast_in_dim3A_3 : vector<16xi1>, vector<16xi32>
        %broadcast_in_dim3A_112 = vector.shape_cast %select_n3A_111 : vector<16xi32> to vector<16x1xi32>
        %gather3A_113 = vector.shape_cast %broadcast_in_dim3A_112 : vector<16x1xi32> to vector<16xi32>
        %gather3A_114 = tpu.dynamic_gather %masked_cumsum3A_104[%gather3A_113] in [0] : vector<16xf32>, vector<16xi32> -> vector<16xf32>
        %add3A_115 = arith.addf %masked_cumsum3A_104, %add3A_94 : vector<16xf32>
        %mul3A_116 = arith.constant 16 : i32
        %mul3A_117 = arith.muli %scan3A_96, %mul3A_116 : i32
        %swap3A_118 = arith.index_cast %scan3A_63 : i32 to index
        %swap3A_119 = arith.index_cast %mul3A_117 : i32 to index
        %swap3A_120 = tpu.vector_load %arg4[%swap3A_118, %swap3A_119] {strides = array<i32>} : memref<16x2048xf32, #tpu.memory_space<vmem>>, vector<16xf32>,
        tpu.vector_store %arg4[%swap3A_118, %swap3A_119], %add3A_115 {strides = array<i32>} : memref<16x2048xf32, #tpu.memory_space<vmem>>, vector<16xf32>,
        %add3A_121 = arith.addf %add3A_94, %gather3A_114 : vector<16xf32>
        %scan3A_122 = arith.constant 2 : i32
        %scan3A_123 = arith.addi %scan3A_74, %scan3A_122 : i32
        %mul3A_124 = arith.constant 16 : i32
        %mul3A_125 = arith.muli %scan3A_123, %mul3A_124 : i32
        %get3A_126 = arith.index_cast %scan3A_63 : i32 to index
        %get3A_127 = arith.index_cast %mul3A_125 : i32 to index
        %get3A_128 = tpu.vector_load %arg4[%get3A_126, %get3A_127] {strides = array<i32>} : memref<16x2048xf32, #tpu.memory_space<vmem>>, vector<16xf32>,
        %broadcast_in_dim3A_129 = arith.constant true
        %broadcast_in_dim3A_130 = vector.broadcast %broadcast_in_dim3A_129 : i1 to vector<16xi1>
        %masked_cumsum3A_131 = tpu.scan <sum>, %get3A_128 masked %broadcast_in_dim3A_130 : vector<16xf32>, vector<16xi1> -> vector<16xf32>
        %lt3A_132 = arith.constant 0 : i32
        %lt3A_133 = vector.broadcast %lt3A_132 : i32 to vector<16xi32>
        %lt3A_134 = arith.cmpi slt, %broadcast_in_dim3A_3, %lt3A_133 : vector<16xi32>
        %add3A_135 = arith.constant 16 : i32
        %add3A_136 = vector.broadcast %add3A_135 : i32 to vector<16xi32>
        %add3A_137 = arith.addi %broadcast_in_dim3A_3, %add3A_136 : vector<16xi32>
        %select_n3A_138 = arith.select %lt3A_134, %add3A_137, %broadcast_in_dim3A_3 : vector<16xi1>, vector<16xi32>
        %broadcast_in_dim3A_139 = vector.shape_cast %select_n3A_138 : vector<16xi32> to vector<16x1xi32>
        %gather3A_140 = vector.shape_cast %broadcast_in_dim3A_139 : vector<16x1xi32> to vector<16xi32>
        %gather3A_141 = tpu.dynamic_gather %masked_cumsum3A_131[%gather3A_140] in [0] : vector<16xf32>, vector<16xi32> -> vector<16xf32>
        %add3A_142 = arith.addf %masked_cumsum3A_131, %add3A_121 : vector<16xf32>
        %mul3A_143 = arith.constant 16 : i32
        %mul3A_144 = arith.muli %scan3A_123, %mul3A_143 : i32
        %swap3A_145 = arith.index_cast %scan3A_63 : i32 to index
        %swap3A_146 = arith.index_cast %mul3A_144 : i32 to index
        %swap3A_147 = tpu.vector_load %arg4[%swap3A_145, %swap3A_146] {strides = array<i32>} : memref<16x2048xf32, #tpu.memory_space<vmem>>, vector<16xf32>,
        tpu.vector_store %arg4[%swap3A_145, %swap3A_146], %add3A_142 {strides = array<i32>} : memref<16x2048xf32, #tpu.memory_space<vmem>>, vector<16xf32>,
        %add3A_148 = arith.addf %add3A_121, %gather3A_141 : vector<16xf32>
        %scan3A_149 = arith.constant 3 : i32
        %scan3A_150 = arith.addi %scan3A_74, %scan3A_149 : i32
        %mul3A_151 = arith.constant 16 : i32
        %mul3A_152 = arith.muli %scan3A_150, %mul3A_151 : i32
        %get3A_153 = arith.index_cast %scan3A_63 : i32 to index
        %get3A_154 = arith.index_cast %mul3A_152 : i32 to index
        %get3A_155 = tpu.vector_load %arg4[%get3A_153, %get3A_154] {strides = array<i32>} : memref<16x2048xf32, #tpu.memory_space<vmem>>, vector<16xf32>,
        %broadcast_in_dim3A_156 = arith.constant true
        %broadcast_in_dim3A_157 = vector.broadcast %broadcast_in_dim3A_156 : i1 to vector<16xi1>
        %masked_cumsum3A_158 = tpu.scan <sum>, %get3A_155 masked %broadcast_in_dim3A_157 : vector<16xf32>, vector<16xi1> -> vector<16xf32>
        %lt3A_159 = arith.constant 0 : i32
        %lt3A_160 = vector.broadcast %lt3A_159 : i32 to vector<16xi32>
        %lt3A_161 = arith.cmpi slt, %broadcast_in_dim3A_3, %lt3A_160 : vector<16xi32>
        %add3A_162 = arith.constant 16 : i32
        %add3A_163 = vector.broadcast %add3A_162 : i32 to vector<16xi32>
        %add3A_164 = arith.addi %broadcast_in_dim3A_3, %add3A_163 : vector<16xi32>
        %select_n3A_165 = arith.select %lt3A_161, %add3A_164, %broadcast_in_dim3A_3 : vector<16xi1>, vector<16xi32>
        %broadcast_in_dim3A_166 = vector.shape_cast %select_n3A_165 : vector<16xi32> to vector<16x1xi32>
        %gather3A_167 = vector.shape_cast %broadcast_in_dim3A_166 : vector<16x1xi32> to vector<16xi32>
        %gather3A_168 = tpu.dynamic_gather %masked_cumsum3A_158[%gather3A_167] in [0] : vector<16xf32>, vector<16xi32> -> vector<16xf32>
        %add3A_169 = arith.addf %masked_cumsum3A_158, %add3A_148 : vector<16xf32>
        %mul3A_170 = arith.constant 16 : i32
        %mul3A_171 = arith.muli %scan3A_150, %mul3A_170 : i32
        %swap3A_172 = arith.index_cast %scan3A_63 : i32 to index
        %swap3A_173 = arith.index_cast %mul3A_171 : i32 to index
        %swap3A_174 = tpu.vector_load %arg4[%swap3A_172, %swap3A_173] {strides = array<i32>} : memref<16x2048xf32, #tpu.memory_space<vmem>>, vector<16xf32>,
        tpu.vector_store %arg4[%swap3A_172, %swap3A_173], %add3A_169 {strides = array<i32>} : memref<16x2048xf32, #tpu.memory_space<vmem>>, vector<16xf32>,
        %add3A_175 = arith.addf %add3A_148, %gather3A_168 : vector<16xf32>
        %scan3A_176 = arith.constant 4 : i32
        %scan3A_177 = arith.addi %scan3A_74, %scan3A_176 : i32
        %mul3A_178 = arith.constant 16 : i32
        %mul3A_179 = arith.muli %scan3A_177, %mul3A_178 : i32
        %get3A_180 = arith.index_cast %scan3A_63 : i32 to index
        %get3A_181 = arith.index_cast %mul3A_179 : i32 to index
        %get3A_182 = tpu.vector_load %arg4[%get3A_180, %get3A_181] {strides = array<i32>} : memref<16x2048xf32, #tpu.memory_space<vmem>>, vector<16xf32>,
        %broadcast_in_dim3A_183 = arith.constant true
        %broadcast_in_dim3A_184 = vector.broadcast %broadcast_in_dim3A_183 : i1 to vector<16xi1>
        %masked_cumsum3A_185 = tpu.scan <sum>, %get3A_182 masked %broadcast_in_dim3A_184 : vector<16xf32>, vector<16xi1> -> vector<16xf32>
        %lt3A_186 = arith.constant 0 : i32
        %lt3A_187 = vector.broadcast %lt3A_186 : i32 to vector<16xi32>
        %lt3A_188 = arith.cmpi slt, %broadcast_in_dim3A_3, %lt3A_187 : vector<16xi32>
        %add3A_189 = arith.constant 16 : i32
        %add3A_190 = vector.broadcast %add3A_189 : i32 to vector<16xi32>
        %add3A_191 = arith.addi %broadcast_in_dim3A_3, %add3A_190 : vector<16xi32>
        %select_n3A_192 = arith.select %lt3A_188, %add3A_191, %broadcast_in_dim3A_3 : vector<16xi1>, vector<16xi32>
        %broadcast_in_dim3A_193 = vector.shape_cast %select_n3A_192 : vector<16xi32> to vector<16x1xi32>
        %gather3A_194 = vector.shape_cast %broadcast_in_dim3A_193 : vector<16x1xi32> to vector<16xi32>
        %gather3A_195 = tpu.dynamic_gather %masked_cumsum3A_185[%gather3A_194] in [0] : vector<16xf32>, vector<16xi32> -> vector<16xf32>
        %add3A_196 = arith.addf %masked_cumsum3A_185, %add3A_175 : vector<16xf32>
        %mul3A_197 = arith.constant 16 : i32
        %mul3A_198 = arith.muli %scan3A_177, %mul3A_197 : i32
        %swap3A_199 = arith.index_cast %scan3A_63 : i32 to index
        %swap3A_200 = arith.index_cast %mul3A_198 : i32 to index
        %swap3A_201 = tpu.vector_load %arg4[%swap3A_199, %swap3A_200] {strides = array<i32>} : memref<16x2048xf32, #tpu.memory_space<vmem>>, vector<16xf32>,
        tpu.vector_store %arg4[%swap3A_199, %swap3A_200], %add3A_196 {strides = array<i32>} : memref<16x2048xf32, #tpu.memory_space<vmem>>, vector<16xf32>,
        %add3A_202 = arith.addf %add3A_175, %gather3A_195 : vector<16xf32>
        %scan3A_203 = arith.constant 5 : i32
        %scan3A_204 = arith.addi %scan3A_74, %scan3A_203 : i32
        %mul3A_205 = arith.constant 16 : i32
        %mul3A_206 = arith.muli %scan3A_204, %mul3A_205 : i32
        %get3A_207 = arith.index_cast %scan3A_63 : i32 to index
        %get3A_208 = arith.index_cast %mul3A_206 : i32 to index
        %get3A_209 = tpu.vector_load %arg4[%get3A_207, %get3A_208] {strides = array<i32>} : memref<16x2048xf32, #tpu.memory_space<vmem>>, vector<16xf32>,
        %broadcast_in_dim3A_210 = arith.constant true
        %broadcast_in_dim3A_211 = vector.broadcast %broadcast_in_dim3A_210 : i1 to vector<16xi1>
        %masked_cumsum3A_212 = tpu.scan <sum>, %get3A_209 masked %broadcast_in_dim3A_211 : vector<16xf32>, vector<16xi1> -> vector<16xf32>
        %lt3A_213 = arith.constant 0 : i32
        %lt3A_214 = vector.broadcast %lt3A_213 : i32 to vector<16xi32>
        %lt3A_215 = arith.cmpi slt, %broadcast_in_dim3A_3, %lt3A_214 : vector<16xi32>
        %add3A_216 = arith.constant 16 : i32
        %add3A_217 = vector.broadcast %add3A_216 : i32 to vector<16xi32>
        %add3A_218 = arith.addi %broadcast_in_dim3A_3, %add3A_217 : vector<16xi32>
        %select_n3A_219 = arith.select %lt3A_215, %add3A_218, %broadcast_in_dim3A_3 : vector<16xi1>, vector<16xi32>
        %broadcast_in_dim3A_220 = vector.shape_cast %select_n3A_219 : vector<16xi32> to vector<16x1xi32>
        %gather3A_221 = vector.shape_cast %broadcast_in_dim3A_220 : vector<16x1xi32> to vector<16xi32>
        %gather3A_222 = tpu.dynamic_gather %masked_cumsum3A_212[%gather3A_221] in [0] : vector<16xf32>, vector<16xi32> -> vector<16xf32>
        %add3A_223 = arith.addf %masked_cumsum3A_212, %add3A_202 : vector<16xf32>
        %mul3A_224 = arith.constant 16 : i32
        %mul3A_225 = arith.muli %scan3A_204, %mul3A_224 : i32
        %swap3A_226 = arith.index_cast %scan3A_63 : i32 to index
        %swap3A_227 = arith.index_cast %mul3A_225 : i32 to index
        %swap3A_228 = tpu.vector_load %arg4[%swap3A_226, %swap3A_227] {strides = array<i32>} : memref<16x2048xf32, #tpu.memory_space<vmem>>, vector<16xf32>,
        tpu.vector_store %arg4[%swap3A_226, %swap3A_227], %add3A_223 {strides = array<i32>} : memref<16x2048xf32, #tpu.memory_space<vmem>>, vector<16xf32>,
        %add3A_229 = arith.addf %add3A_202, %gather3A_222 : vector<16xf32>
        %scan3A_230 = arith.constant 6 : i32
        %scan3A_231 = arith.addi %scan3A_74, %scan3A_230 : i32
        %mul3A_232 = arith.constant 16 : i32
        %mul3A_233 = arith.muli %scan3A_231, %mul3A_232 : i32
        %get3A_234 = arith.index_cast %scan3A_63 : i32 to index
        %get3A_235 = arith.index_cast %mul3A_233 : i32 to index
        %get3A_236 = tpu.vector_load %arg4[%get3A_234, %get3A_235] {strides = array<i32>} : memref<16x2048xf32, #tpu.memory_space<vmem>>, vector<16xf32>,
        %broadcast_in_dim3A_237 = arith.constant true
        %broadcast_in_dim3A_238 = vector.broadcast %broadcast_in_dim3A_237 : i1 to vector<16xi1>
        %masked_cumsum3A_239 = tpu.scan <sum>, %get3A_236 masked %broadcast_in_dim3A_238 : vector<16xf32>, vector<16xi1> -> vector<16xf32>
        %lt3A_240 = arith.constant 0 : i32
        %lt3A_241 = vector.broadcast %lt3A_240 : i32 to vector<16xi32>
        %lt3A_242 = arith.cmpi slt, %broadcast_in_dim3A_3, %lt3A_241 : vector<16xi32>
        %add3A_243 = arith.constant 16 : i32
        %add3A_244 = vector.broadcast %add3A_243 : i32 to vector<16xi32>
        %add3A_245 = arith.addi %broadcast_in_dim3A_3, %add3A_244 : vector<16xi32>
        %select_n3A_246 = arith.select %lt3A_242, %add3A_245, %broadcast_in_dim3A_3 : vector<16xi1>, vector<16xi32>
        %broadcast_in_dim3A_247 = vector.shape_cast %select_n3A_246 : vector<16xi32> to vector<16x1xi32>
        %gather3A_248 = vector.shape_cast %broadcast_in_dim3A_247 : vector<16x1xi32> to vector<16xi32>
        %gather3A_249 = tpu.dynamic_gather %masked_cumsum3A_239[%gather3A_248] in [0] : vector<16xf32>, vector<16xi32> -> vector<16xf32>
        %add3A_250 = arith.addf %masked_cumsum3A_239, %add3A_229 : vector<16xf32>
        %mul3A_251 = arith.constant 16 : i32
        %mul3A_252 = arith.muli %scan3A_231, %mul3A_251 : i32
        %swap3A_253 = arith.index_cast %scan3A_63 : i32 to index
        %swap3A_254 = arith.index_cast %mul3A_252 : i32 to index
        %swap3A_255 = tpu.vector_load %arg4[%swap3A_253, %swap3A_254] {strides = array<i32>} : memref<16x2048xf32, #tpu.memory_space<vmem>>, vector<16xf32>,
        tpu.vector_store %arg4[%swap3A_253, %swap3A_254], %add3A_250 {strides = array<i32>} : memref<16x2048xf32, #tpu.memory_space<vmem>>, vector<16xf32>,
        %add3A_256 = arith.addf %add3A_229, %gather3A_249 : vector<16xf32>
        %scan3A_257 = arith.constant 7 : i32
        %scan3A_258 = arith.addi %scan3A_74, %scan3A_257 : i32
        %mul3A_259 = arith.constant 16 : i32
        %mul3A_260 = arith.muli %scan3A_258, %mul3A_259 : i32
        %get3A_261 = arith.index_cast %scan3A_63 : i32 to index
        %get3A_262 = arith.index_cast %mul3A_260 : i32 to index
        %get3A_263 = tpu.vector_load %arg4[%get3A_261, %get3A_262] {strides = array<i32>} : memref<16x2048xf32, #tpu.memory_space<vmem>>, vector<16xf32>,
        %broadcast_in_dim3A_264 = arith.constant true
        %broadcast_in_dim3A_265 = vector.broadcast %broadcast_in_dim3A_264 : i1 to vector<16xi1>
        %masked_cumsum3A_266 = tpu.scan <sum>, %get3A_263 masked %broadcast_in_dim3A_265 : vector<16xf32>, vector<16xi1> -> vector<16xf32>
        %lt3A_267 = arith.constant 0 : i32
        %lt3A_268 = vector.broadcast %lt3A_267 : i32 to vector<16xi32>
        %lt3A_269 = arith.cmpi slt, %broadcast_in_dim3A_3, %lt3A_268 : vector<16xi32>
        %add3A_270 = arith.constant 16 : i32
        %add3A_271 = vector.broadcast %add3A_270 : i32 to vector<16xi32>
        %add3A_272 = arith.addi %broadcast_in_dim3A_3, %add3A_271 : vector<16xi32>
        %select_n3A_273 = arith.select %lt3A_269, %add3A_272, %broadcast_in_dim3A_3 : vector<16xi1>, vector<16xi32>
        %broadcast_in_dim3A_274 = vector.shape_cast %select_n3A_273 : vector<16xi32> to vector<16x1xi32>
        %gather3A_275 = vector.shape_cast %broadcast_in_dim3A_274 : vector<16x1xi32> to vector<16xi32>
        %gather3A_276 = tpu.dynamic_gather %masked_cumsum3A_266[%gather3A_275] in [0] : vector<16xf32>, vector<16xi32> -> vector<16xf32>
        %add3A_277 = arith.addf %masked_cumsum3A_266, %add3A_256 : vector<16xf32>
        %mul3A_278 = arith.constant 16 : i32
        %mul3A_279 = arith.muli %scan3A_258, %mul3A_278 : i32
        %swap3A_280 = arith.index_cast %scan3A_63 : i32 to index
        %swap3A_281 = arith.index_cast %mul3A_279 : i32 to index
        %swap3A_282 = tpu.vector_load %arg4[%swap3A_280, %swap3A_281] {strides = array<i32>} : memref<16x2048xf32, #tpu.memory_space<vmem>>, vector<16xf32>,
        tpu.vector_store %arg4[%swap3A_280, %swap3A_281], %add3A_277 {strides = array<i32>} : memref<16x2048xf32, #tpu.memory_space<vmem>>, vector<16xf32>,
        %add3A_283 = arith.addf %add3A_256, %gather3A_276 : vector<16xf32>
        scf.yield %add3A_283 : vector<16xf32>
      }
      %scan3A_72 = arith.constant 128 : i32
      %scan3A_73 = arith.constant 0 : i32
      scf.yield %scan3A_73 : i32
    }
    %scan3A_25 = arith.constant 16 : i32
    %add3A_26 = arith.constant 0 : i32
    %add3A_27 = arith.addi %mul3A_2, %add3A_26 : i32
    %dma_start3A_28 = arith.constant 0 : i32
    %dma_start3A_29 = tpu.memref_slice %arg3[%add3A_27, %dma_start3A_28] : memref<1024x2048xf32, #tpu.memory_space<hbm>> -> memref<16x2048xf32, #tpu.memory_space<hbm>>
    %dma_start3A_30 = arith.constant 0 : i32
    %dma_start3A_31 = tpu.memref_slice %arg3[%add3A_27, %dma_start3A_30] : memref<1024x2048xf32, #tpu.memory_space<hbm>> -> memref<16x2048xf32, #tpu.memory_space<hbm>>
    tpu.enqueue_dma source(%arg4 : memref<16x2048xf32, #tpu.memory_space<vmem>>) target(%dma_start3A_31 : memref<16x2048xf32, #tpu.memory_space<hbm>>) target_semaphore(%arg8 : memref<!tpu.dma_semaphore, #tpu.memory_space<semaphore_mem>>)
    %add3A_32 = arith.constant 16 : i32
    %add3A_33 = arith.addi %mul3A_2, %add3A_32 : i32
    %dma_wait3A_34 = arith.constant 0 : i32
    %dma_wait3A_35 = tpu.memref_slice %arg2[%add3A_33, %dma_wait3A_34] : memref<4096x2048xf32, #tpu.memory_space<hbm>> -> memref<16x2048xf32, #tpu.memory_space<hbm>>
    %dma_wait3A_36 = arith.constant 0 : i32
    %dma_wait3A_37 = tpu.memref_slice %arg2[%add3A_33, %dma_wait3A_36] : memref<4096x2048xf32, #tpu.memory_space<hbm>> -> memref<16x2048xf32, #tpu.memory_space<hbm>>
    tpu.wait_dma2 semaphore(%arg7 : memref<!tpu.dma_semaphore, #tpu.memory_space<semaphore_mem>>) src(%dma_wait3A_37 : memref<16x2048xf32, #tpu.memory_space<hbm>>) dst(%arg5 : memref<16x2048xf32, #tpu.memory_space<vmem>>)
    %scan3A_38 = arith.constant 0 : i32
    %scan3A_39 = arith.constant 0 : i32
    %scan3A_40 = arith.constant 16 : i32
    %scan3A_41 = arith.addi %scan3A_39, %scan3A_40 : i32
    %scan3A_42 = arith.constant 1 : i32
    %scan3A_43 = scf.for %scan3A_63 = %scan3A_39 to %scan3A_41 step %scan3A_42 iter_args(%scan3A_64 = %scan3A_38) -> (i32)  : i32 {
      %broadcast_in_dim3A_65 = arith.constant 0.000000e+00 : f32
      %broadcast_in_dim3A_66 = vector.broadcast %broadcast_in_dim3A_65 : f32 to vector<16xf32>
      %scan3A_67 = arith.constant 0 : i32
      %scan3A_68 = arith.constant 128 : i32
      %scan3A_69 = arith.addi %scan3A_67, %scan3A_68 : i32
      %scan3A_70 = arith.constant 8 : i32
      %scan3A_71 = scf.for %scan3A_74 = %scan3A_67 to %scan3A_69 step %scan3A_70 iter_args(%scan3A_75 = %broadcast_in_dim3A_66) -> (vector<16xf32>)  : i32 {
        %mul3A_76 = arith.constant 16 : i32
        %mul3A_77 = arith.muli %scan3A_74, %mul3A_76 : i32
        %get3A = arith.index_cast %scan3A_63 : i32 to index
        %get3A_78 = arith.index_cast %mul3A_77 : i32 to index
        %get3A_79 = tpu.vector_load %arg5[%get3A, %get3A_78] {strides = array<i32>} : memref<16x2048xf32, #tpu.memory_space<vmem>>, vector<16xf32>,
        %broadcast_in_dim3A_80 = arith.constant true
        %broadcast_in_dim3A_81 = vector.broadcast %broadcast_in_dim3A_80 : i1 to vector<16xi1>
        %masked_cumsum3A = tpu.scan <sum>, %get3A_79 masked %broadcast_in_dim3A_81 : vector<16xf32>, vector<16xi1> -> vector<16xf32>
        %lt3A = arith.constant 0 : i32
        %lt3A_82 = vector.broadcast %lt3A : i32 to vector<16xi32>
        %lt3A_83 = arith.cmpi slt, %broadcast_in_dim3A_3, %lt3A_82 : vector<16xi32>
        %add3A_84 = arith.constant 16 : i32
        %add3A_85 = vector.broadcast %add3A_84 : i32 to vector<16xi32>
        %add3A_86 = arith.addi %broadcast_in_dim3A_3, %add3A_85 : vector<16xi32>
        %select_n3A = arith.select %lt3A_83, %add3A_86, %broadcast_in_dim3A_3 : vector<16xi1>, vector<16xi32>
        %broadcast_in_dim3A_87 = vector.shape_cast %select_n3A : vector<16xi32> to vector<16x1xi32>
        %gather3A = vector.shape_cast %broadcast_in_dim3A_87 : vector<16x1xi32> to vector<16xi32>
        %gather3A_88 = tpu.dynamic_gather %masked_cumsum3A[%gather3A] in [0] : vector<16xf32>, vector<16xi32> -> vector<16xf32>
        %add3A_89 = arith.addf %masked_cumsum3A, %scan3A_75 : vector<16xf32>
        %mul3A_90 = arith.constant 16 : i32
        %mul3A_91 = arith.muli %scan3A_74, %mul3A_90 : i32
        %swap3A = arith.index_cast %scan3A_63 : i32 to index
        %swap3A_92 = arith.index_cast %mul3A_91 : i32 to index
        %swap3A_93 = tpu.vector_load %arg5[%swap3A, %swap3A_92] {strides = array<i32>} : memref<16x2048xf32, #tpu.memory_space<vmem>>, vector<16xf32>,
        tpu.vector_store %arg5[%swap3A, %swap3A_92], %add3A_89 {strides = array<i32>} : memref<16x2048xf32, #tpu.memory_space<vmem>>, vector<16xf32>,
        %add3A_94 = arith.addf %scan3A_75, %gather3A_88 : vector<16xf32>
        %scan3A_95 = arith.constant 1 : i32
        %scan3A_96 = arith.addi %scan3A_74, %scan3A_95 : i32
        %mul3A_97 = arith.constant 16 : i32
        %mul3A_98 = arith.muli %scan3A_96, %mul3A_97 : i32
        %get3A_99 = arith.index_cast %scan3A_63 : i32 to index
        %get3A_100 = arith.index_cast %mul3A_98 : i32 to index
        %get3A_101 = tpu.vector_load %arg5[%get3A_99, %get3A_100] {strides = array<i32>} : memref<16x2048xf32, #tpu.memory_space<vmem>>, vector<16xf32>,
        %broadcast_in_dim3A_102 = arith.constant true
        %broadcast_in_dim3A_103 = vector.broadcast %broadcast_in_dim3A_102 : i1 to vector<16xi1>
        %masked_cumsum3A_104 = tpu.scan <sum>, %get3A_101 masked %broadcast_in_dim3A_103 : vector<16xf32>, vector<16xi1> -> vector<16xf32>
        %lt3A_105 = arith.constant 0 : i32
        %lt3A_106 = vector.broadcast %lt3A_105 : i32 to vector<16xi32>
        %lt3A_107 = arith.cmpi slt, %broadcast_in_dim3A_3, %lt3A_106 : vector<16xi32>
        %add3A_108 = arith.constant 16 : i32
        %add3A_109 = vector.broadcast %add3A_108 : i32 to vector<16xi32>
        %add3A_110 = arith.addi %broadcast_in_dim3A_3, %add3A_109 : vector<16xi32>
        %select_n3A_111 = arith.select %lt3A_107, %add3A_110, %broadcast_in_dim3A_3 : vector<16xi1>, vector<16xi32>
        %broadcast_in_dim3A_112 = vector.shape_cast %select_n3A_111 : vector<16xi32> to vector<16x1xi32>
        %gather3A_113 = vector.shape_cast %broadcast_in_dim3A_112 : vector<16x1xi32> to vector<16xi32>
        %gather3A_114 = tpu.dynamic_gather %masked_cumsum3A_104[%gather3A_113] in [0] : vector<16xf32>, vector<16xi32> -> vector<16xf32>
        %add3A_115 = arith.addf %masked_cumsum3A_104, %add3A_94 : vector<16xf32>
        %mul3A_116 = arith.constant 16 : i32
        %mul3A_117 = arith.muli %scan3A_96, %mul3A_116 : i32
        %swap3A_118 = arith.index_cast %scan3A_63 : i32 to index
        %swap3A_119 = arith.index_cast %mul3A_117 : i32 to index
        %swap3A_120 = tpu.vector_load %arg5[%swap3A_118, %swap3A_119] {strides = array<i32>} : memref<16x2048xf32, #tpu.memory_space<vmem>>, vector<16xf32>,
        tpu.vector_store %arg5[%swap3A_118, %swap3A_119], %add3A_115 {strides = array<i32>} : memref<16x2048xf32, #tpu.memory_space<vmem>>, vector<16xf32>,
        %add3A_121 = arith.addf %add3A_94, %gather3A_114 : vector<16xf32>
        %scan3A_122 = arith.constant 2 : i32
        %scan3A_123 = arith.addi %scan3A_74, %scan3A_122 : i32
        %mul3A_124 = arith.constant 16 : i32
        %mul3A_125 = arith.muli %scan3A_123, %mul3A_124 : i32
        %get3A_126 = arith.index_cast %scan3A_63 : i32 to index
        %get3A_127 = arith.index_cast %mul3A_125 : i32 to index
        %get3A_128 = tpu.vector_load %arg5[%get3A_126, %get3A_127] {strides = array<i32>} : memref<16x2048xf32, #tpu.memory_space<vmem>>, vector<16xf32>,
        %broadcast_in_dim3A_129 = arith.constant true
        %broadcast_in_dim3A_130 = vector.broadcast %broadcast_in_dim3A_129 : i1 to vector<16xi1>
        %masked_cumsum3A_131 = tpu.scan <sum>, %get3A_128 masked %broadcast_in_dim3A_130 : vector<16xf32>, vector<16xi1> -> vector<16xf32>
        %lt3A_132 = arith.constant 0 : i32
        %lt3A_133 = vector.broadcast %lt3A_132 : i32 to vector<16xi32>
        %lt3A_134 = arith.cmpi slt, %broadcast_in_dim3A_3, %lt3A_133 : vector<16xi32>
        %add3A_135 = arith.constant 16 : i32
        %add3A_136 = vector.broadcast %add3A_135 : i32 to vector<16xi32>
        %add3A_137 = arith.addi %broadcast_in_dim3A_3, %add3A_136 : vector<16xi32>
        %select_n3A_138 = arith.select %lt3A_134, %add3A_137, %broadcast_in_dim3A_3 : vector<16xi1>, vector<16xi32>
        %broadcast_in_dim3A_139 = vector.shape_cast %select_n3A_138 : vector<16xi32> to vector<16x1xi32>
        %gather3A_140 = vector.shape_cast %broadcast_in_dim3A_139 : vector<16x1xi32> to vector<16xi32>
        %gather3A_141 = tpu.dynamic_gather %masked_cumsum3A_131[%gather3A_140] in [0] : vector<16xf32>, vector<16xi32> -> vector<16xf32>
        %add3A_142 = arith.addf %masked_cumsum3A_131, %add3A_121 : vector<16xf32>
        %mul3A_143 = arith.constant 16 : i32
        %mul3A_144 = arith.muli %scan3A_123, %mul3A_143 : i32
        %swap3A_145 = arith.index_cast %scan3A_63 : i32 to index
        %swap3A_146 = arith.index_cast %mul3A_144 : i32 to index
        %swap3A_147 = tpu.vector_load %arg5[%swap3A_145, %swap3A_146] {strides = array<i32>} : memref<16x2048xf32, #tpu.memory_space<vmem>>, vector<16xf32>,
        tpu.vector_store %arg5[%swap3A_145, %swap3A_146], %add3A_142 {strides = array<i32>} : memref<16x2048xf32, #tpu.memory_space<vmem>>, vector<16xf32>,
        %add3A_148 = arith.addf %add3A_121, %gather3A_141 : vector<16xf32>
        %scan3A_149 = arith.constant 3 : i32
        %scan3A_150 = arith.addi %scan3A_74, %scan3A_149 : i32
        %mul3A_151 = arith.constant 16 : i32
        %mul3A_152 = arith.muli %scan3A_150, %mul3A_151 : i32
        %get3A_153 = arith.index_cast %scan3A_63 : i32 to index
        %get3A_154 = arith.index_cast %mul3A_152 : i32 to index
        %get3A_155 = tpu.vector_load %arg5[%get3A_153, %get3A_154] {strides = array<i32>} : memref<16x2048xf32, #tpu.memory_space<vmem>>, vector<16xf32>,
        %broadcast_in_dim3A_156 = arith.constant true
        %broadcast_in_dim3A_157 = vector.broadcast %broadcast_in_dim3A_156 : i1 to vector<16xi1>
        %masked_cumsum3A_158 = tpu.scan <sum>, %get3A_155 masked %broadcast_in_dim3A_157 : vector<16xf32>, vector<16xi1> -> vector<16xf32>
        %lt3A_159 = arith.constant 0 : i32
        %lt3A_160 = vector.broadcast %lt3A_159 : i32 to vector<16xi32>
        %lt3A_161 = arith.cmpi slt, %broadcast_in_dim3A_3, %lt3A_160 : vector<16xi32>
        %add3A_162 = arith.constant 16 : i32
        %add3A_163 = vector.broadcast %add3A_162 : i32 to vector<16xi32>
        %add3A_164 = arith.addi %broadcast_in_dim3A_3, %add3A_163 : vector<16xi32>
        %select_n3A_165 = arith.select %lt3A_161, %add3A_164, %broadcast_in_dim3A_3 : vector<16xi1>, vector<16xi32>
        %broadcast_in_dim3A_166 = vector.shape_cast %select_n3A_165 : vector<16xi32> to vector<16x1xi32>
        %gather3A_167 = vector.shape_cast %broadcast_in_dim3A_166 : vector<16x1xi32> to vector<16xi32>
        %gather3A_168 = tpu.dynamic_gather %masked_cumsum3A_158[%gather3A_167] in [0] : vector<16xf32>, vector<16xi32> -> vector<16xf32>
        %add3A_169 = arith.addf %masked_cumsum3A_158, %add3A_148 : vector<16xf32>
        %mul3A_170 = arith.constant 16 : i32
        %mul3A_171 = arith.muli %scan3A_150, %mul3A_170 : i32
        %swap3A_172 = arith.index_cast %scan3A_63 : i32 to index
        %swap3A_173 = arith.index_cast %mul3A_171 : i32 to index
        %swap3A_174 = tpu.vector_load %arg5[%swap3A_172, %swap3A_173] {strides = array<i32>} : memref<16x2048xf32, #tpu.memory_space<vmem>>, vector<16xf32>,
        tpu.vector_store %arg5[%swap3A_172, %swap3A_173], %add3A_169 {strides = array<i32>} : memref<16x2048xf32, #tpu.memory_space<vmem>>, vector<16xf32>,
        %add3A_175 = arith.addf %add3A_148, %gather3A_168 : vector<16xf32>
        %scan3A_176 = arith.constant 4 : i32
        %scan3A_177 = arith.addi %scan3A_74, %scan3A_176 : i32
        %mul3A_178 = arith.constant 16 : i32
        %mul3A_179 = arith.muli %scan3A_177, %mul3A_178 : i32
        %get3A_180 = arith.index_cast %scan3A_63 : i32 to index
        %get3A_181 = arith.index_cast %mul3A_179 : i32 to index
        %get3A_182 = tpu.vector_load %arg5[%get3A_180, %get3A_181] {strides = array<i32>} : memref<16x2048xf32, #tpu.memory_space<vmem>>, vector<16xf32>,
        %broadcast_in_dim3A_183 = arith.constant true
        %broadcast_in_dim3A_184 = vector.broadcast %broadcast_in_dim3A_183 : i1 to vector<16xi1>
        %masked_cumsum3A_185 = tpu.scan <sum>, %get3A_182 masked %broadcast_in_dim3A_184 : vector<16xf32>, vector<16xi1> -> vector<16xf32>
        %lt3A_186 = arith.constant 0 : i32
        %lt3A_187 = vector.broadcast %lt3A_186 : i32 to vector<16xi32>
        %lt3A_188 = arith.cmpi slt, %broadcast_in_dim3A_3, %lt3A_187 : vector<16xi32>
        %add3A_189 = arith.constant 16 : i32
        %add3A_190 = vector.broadcast %add3A_189 : i32 to vector<16xi32>
        %add3A_191 = arith.addi %broadcast_in_dim3A_3, %add3A_190 : vector<16xi32>
        %select_n3A_192 = arith.select %lt3A_188, %add3A_191, %broadcast_in_dim3A_3 : vector<16xi1>, vector<16xi32>
        %broadcast_in_dim3A_193 = vector.shape_cast %select_n3A_192 : vector<16xi32> to vector<16x1xi32>
        %gather3A_194 = vector.shape_cast %broadcast_in_dim3A_193 : vector<16x1xi32> to vector<16xi32>
        %gather3A_195 = tpu.dynamic_gather %masked_cumsum3A_185[%gather3A_194] in [0] : vector<16xf32>, vector<16xi32> -> vector<16xf32>
        %add3A_196 = arith.addf %masked_cumsum3A_185, %add3A_175 : vector<16xf32>
        %mul3A_197 = arith.constant 16 : i32
        %mul3A_198 = arith.muli %scan3A_177, %mul3A_197 : i32
        %swap3A_199 = arith.index_cast %scan3A_63 : i32 to index
        %swap3A_200 = arith.index_cast %mul3A_198 : i32 to index
        %swap3A_201 = tpu.vector_load %arg5[%swap3A_199, %swap3A_200] {strides = array<i32>} : memref<16x2048xf32, #tpu.memory_space<vmem>>, vector<16xf32>,
        tpu.vector_store %arg5[%swap3A_199, %swap3A_200], %add3A_196 {strides = array<i32>} : memref<16x2048xf32, #tpu.memory_space<vmem>>, vector<16xf32>,
        %add3A_202 = arith.addf %add3A_175, %gather3A_195 : vector<16xf32>
        %scan3A_203 = arith.constant 5 : i32
        %scan3A_204 = arith.addi %scan3A_74, %scan3A_203 : i32
        %mul3A_205 = arith.constant 16 : i32
        %mul3A_206 = arith.muli %scan3A_204, %mul3A_205 : i32
        %get3A_207 = arith.index_cast %scan3A_63 : i32 to index
        %get3A_208 = arith.index_cast %mul3A_206 : i32 to index
        %get3A_209 = tpu.vector_load %arg5[%get3A_207, %get3A_208] {strides = array<i32>} : memref<16x2048xf32, #tpu.memory_space<vmem>>, vector<16xf32>,
        %broadcast_in_dim3A_210 = arith.constant true
        %broadcast_in_dim3A_211 = vector.broadcast %broadcast_in_dim3A_210 : i1 to vector<16xi1>
        %masked_cumsum3A_212 = tpu.scan <sum>, %get3A_209 masked %broadcast_in_dim3A_211 : vector<16xf32>, vector<16xi1> -> vector<16xf32>
        %lt3A_213 = arith.constant 0 : i32
        %lt3A_214 = vector.broadcast %lt3A_213 : i32 to vector<16xi32>
        %lt3A_215 = arith.cmpi slt, %broadcast_in_dim3A_3, %lt3A_214 : vector<16xi32>
        %add3A_216 = arith.constant 16 : i32
        %add3A_217 = vector.broadcast %add3A_216 : i32 to vector<16xi32>
        %add3A_218 = arith.addi %broadcast_in_dim3A_3, %add3A_217 : vector<16xi32>
        %select_n3A_219 = arith.select %lt3A_215, %add3A_218, %broadcast_in_dim3A_3 : vector<16xi1>, vector<16xi32>
        %broadcast_in_dim3A_220 = vector.shape_cast %select_n3A_219 : vector<16xi32> to vector<16x1xi32>
        %gather3A_221 = vector.shape_cast %broadcast_in_dim3A_220 : vector<16x1xi32> to vector<16xi32>
        %gather3A_222 = tpu.dynamic_gather %masked_cumsum3A_212[%gather3A_221] in [0] : vector<16xf32>, vector<16xi32> -> vector<16xf32>
        %add3A_223 = arith.addf %masked_cumsum3A_212, %add3A_202 : vector<16xf32>
        %mul3A_224 = arith.constant 16 : i32
        %mul3A_225 = arith.muli %scan3A_204, %mul3A_224 : i32
        %swap3A_226 = arith.index_cast %scan3A_63 : i32 to index
        %swap3A_227 = arith.index_cast %mul3A_225 : i32 to index
        %swap3A_228 = tpu.vector_load %arg5[%swap3A_226, %swap3A_227] {strides = array<i32>} : memref<16x2048xf32, #tpu.memory_space<vmem>>, vector<16xf32>,
        tpu.vector_store %arg5[%swap3A_226, %swap3A_227], %add3A_223 {strides = array<i32>} : memref<16x2048xf32, #tpu.memory_space<vmem>>, vector<16xf32>,
        %add3A_229 = arith.addf %add3A_202, %gather3A_222 : vector<16xf32>
        %scan3A_230 = arith.constant 6 : i32
        %scan3A_231 = arith.addi %scan3A_74, %scan3A_230 : i32
        %mul3A_232 = arith.constant 16 : i32
        %mul3A_233 = arith.muli %scan3A_231, %mul3A_232 : i32
        %get3A_234 = arith.index_cast %scan3A_63 : i32 to index
        %get3A_235 = arith.index_cast %mul3A_233 : i32 to index
        %get3A_236 = tpu.vector_load %arg5[%get3A_234, %get3A_235] {strides = array<i32>} : memref<16x2048xf32, #tpu.memory_space<vmem>>, vector<16xf32>,
        %broadcast_in_dim3A_237 = arith.constant true
        %broadcast_in_dim3A_238 = vector.broadcast %broadcast_in_dim3A_237 : i1 to vector<16xi1>
        %masked_cumsum3A_239 = tpu.scan <sum>, %get3A_236 masked %broadcast_in_dim3A_238 : vector<16xf32>, vector<16xi1> -> vector<16xf32>
        %lt3A_240 = arith.constant 0 : i32
        %lt3A_241 = vector.broadcast %lt3A_240 : i32 to vector<16xi32>
        %lt3A_242 = arith.cmpi slt, %broadcast_in_dim3A_3, %lt3A_241 : vector<16xi32>
        %add3A_243 = arith.constant 16 : i32
        %add3A_244 = vector.broadcast %add3A_243 : i32 to vector<16xi32>
        %add3A_245 = arith.addi %broadcast_in_dim3A_3, %add3A_244 : vector<16xi32>
        %select_n3A_246 = arith.select %lt3A_242, %add3A_245, %broadcast_in_dim3A_3 : vector<16xi1>, vector<16xi32>
        %broadcast_in_dim3A_247 = vector.shape_cast %select_n3A_246 : vector<16xi32> to vector<16x1xi32>
        %gather3A_248 = vector.shape_cast %broadcast_in_dim3A_247 : vector<16x1xi32> to vector<16xi32>
        %gather3A_249 = tpu.dynamic_gather %masked_cumsum3A_239[%gather3A_248] in [0] : vector<16xf32>, vector<16xi32> -> vector<16xf32>
        %add3A_250 = arith.addf %masked_cumsum3A_239, %add3A_229 : vector<16xf32>
        %mul3A_251 = arith.constant 16 : i32
        %mul3A_252 = arith.muli %scan3A_231, %mul3A_251 : i32
        %swap3A_253 = arith.index_cast %scan3A_63 : i32 to index
        %swap3A_254 = arith.index_cast %mul3A_252 : i32 to index
        %swap3A_255 = tpu.vector_load %arg5[%swap3A_253, %swap3A_254] {strides = array<i32>} : memref<16x2048xf32, #tpu.memory_space<vmem>>, vector<16xf32>,
        tpu.vector_store %arg5[%swap3A_253, %swap3A_254], %add3A_250 {strides = array<i32>} : memref<16x2048xf32, #tpu.memory_space<vmem>>, vector<16xf32>,
        %add3A_256 = arith.addf %add3A_229, %gather3A_249 : vector<16xf32>
        %scan3A_257 = arith.constant 7 : i32
        %scan3A_258 = arith.addi %scan3A_74, %scan3A_257 : i32
        %mul3A_259 = arith.constant 16 : i32
        %mul3A_260 = arith.muli %scan3A_258, %mul3A_259 : i32
        %get3A_261 = arith.index_cast %scan3A_63 : i32 to index
        %get3A_262 = arith.index_cast %mul3A_260 : i32 to index
        %get3A_263 = tpu.vector_load %arg5[%get3A_261, %get3A_262] {strides = array<i32>} : memref<16x2048xf32, #tpu.memory_space<vmem>>, vector<16xf32>,
        %broadcast_in_dim3A_264 = arith.constant true
        %broadcast_in_dim3A_265 = vector.broadcast %broadcast_in_dim3A_264 : i1 to vector<16xi1>
        %masked_cumsum3A_266 = tpu.scan <sum>, %get3A_263 masked %broadcast_in_dim3A_265 : vector<16xf32>, vector<16xi1> -> vector<16xf32>
        %lt3A_267 = arith.constant 0 : i32
        %lt3A_268 = vector.broadcast %lt3A_267 : i32 to vector<16xi32>
        %lt3A_269 = arith.cmpi slt, %broadcast_in_dim3A_3, %lt3A_268 : vector<16xi32>
        %add3A_270 = arith.constant 16 : i32
        %add3A_271 = vector.broadcast %add3A_270 : i32 to vector<16xi32>
        %add3A_272 = arith.addi %broadcast_in_dim3A_3, %add3A_271 : vector<16xi32>
        %select_n3A_273 = arith.select %lt3A_269, %add3A_272, %broadcast_in_dim3A_3 : vector<16xi1>, vector<16xi32>
        %broadcast_in_dim3A_274 = vector.shape_cast %select_n3A_273 : vector<16xi32> to vector<16x1xi32>
        %gather3A_275 = vector.shape_cast %broadcast_in_dim3A_274 : vector<16x1xi32> to vector<16xi32>
        %gather3A_276 = tpu.dynamic_gather %masked_cumsum3A_266[%gather3A_275] in [0] : vector<16xf32>, vector<16xi32> -> vector<16xf32>
        %add3A_277 = arith.addf %masked_cumsum3A_266, %add3A_256 : vector<16xf32>
        %mul3A_278 = arith.constant 16 : i32
        %mul3A_279 = arith.muli %scan3A_258, %mul3A_278 : i32
        %swap3A_280 = arith.index_cast %scan3A_63 : i32 to index
        %swap3A_281 = arith.index_cast %mul3A_279 : i32 to index
        %swap3A_282 = tpu.vector_load %arg5[%swap3A_280, %swap3A_281] {strides = array<i32>} : memref<16x2048xf32, #tpu.memory_space<vmem>>, vector<16xf32>,
        tpu.vector_store %arg5[%swap3A_280, %swap3A_281], %add3A_277 {strides = array<i32>} : memref<16x2048xf32, #tpu.memory_space<vmem>>, vector<16xf32>,
        %add3A_283 = arith.addf %add3A_256, %gather3A_276 : vector<16xf32>
        scf.yield %add3A_283 : vector<16xf32>
      }
      %scan3A_72 = arith.constant 128 : i32
      %scan3A_73 = arith.constant 0 : i32
      scf.yield %scan3A_73 : i32
    }
    %scan3A_44 = arith.constant 16 : i32
    %add3A_45 = arith.constant 16 : i32
    %add3A_46 = arith.addi %mul3A_2, %add3A_45 : i32
    %dma_start3A_47 = arith.constant 0 : i32
    %dma_start3A_48 = tpu.memref_slice %arg3[%add3A_46, %dma_start3A_47] : memref<1024x2048xf32, #tpu.memory_space<hbm>> -> memref<16x2048xf32, #tpu.memory_space<hbm>>
    %dma_start3A_49 = arith.constant 0 : i32
    %dma_start3A_50 = tpu.memref_slice %arg3[%add3A_46, %dma_start3A_49] : memref<1024x2048xf32, #tpu.memory_space<hbm>> -> memref<16x2048xf32, #tpu.memory_space<hbm>>
    tpu.enqueue_dma source(%arg5 : memref<16x2048xf32, #tpu.memory_space<vmem>>) target(%dma_start3A_50 : memref<16x2048xf32, #tpu.memory_space<hbm>>) target_semaphore(%arg9 : memref<!tpu.dma_semaphore, #tpu.memory_space<semaphore_mem>>)
    %add3A_51 = arith.constant 0 : i32
    %add3A_52 = arith.addi %mul3A_2, %add3A_51 : i32
    %dma_wait3A_53 = arith.constant 0 : i32
    %dma_wait3A_54 = tpu.memref_slice %arg3[%add3A_52, %dma_wait3A_53] : memref<1024x2048xf32, #tpu.memory_space<hbm>> -> memref<16x2048xf32, #tpu.memory_space<hbm>>
    %dma_wait3A_55 = arith.constant 0 : i32
    %dma_wait3A_56 = tpu.memref_slice %arg3[%add3A_52, %dma_wait3A_55] : memref<1024x2048xf32, #tpu.memory_space<hbm>> -> memref<16x2048xf32, #tpu.memory_space<hbm>>
    tpu.wait_dma2 semaphore(%arg8 : memref<!tpu.dma_semaphore, #tpu.memory_space<semaphore_mem>>) src(%arg4 : memref<16x2048xf32, #tpu.memory_space<vmem>>) dst(%dma_wait3A_56 : memref<16x2048xf32, #tpu.memory_space<hbm>>)
    %add3A_57 = arith.constant 16 : i32
    %add3A_58 = arith.addi %mul3A_2, %add3A_57 : i32
    %dma_wait3A_59 = arith.constant 0 : i32
    %dma_wait3A_60 = tpu.memref_slice %arg3[%add3A_58, %dma_wait3A_59] : memref<1024x2048xf32, #tpu.memory_space<hbm>> -> memref<16x2048xf32, #tpu.memory_space<hbm>>
    %dma_wait3A_61 = arith.constant 0 : i32
    %dma_wait3A_62 = tpu.memref_slice %arg3[%add3A_58, %dma_wait3A_61] : memref<1024x2048xf32, #tpu.memory_space<hbm>> -> memref<16x2048xf32, #tpu.memory_space<hbm>>
    tpu.wait_dma2 semaphore(%arg9 : memref<!tpu.dma_semaphore, #tpu.memory_space<semaphore_mem>>) src(%arg5 : memref<16x2048xf32, #tpu.memory_space<vmem>>) dst(%dma_wait3A_62 : memref<16x2048xf32, #tpu.memory_space<hbm>>)
    return
  }
}

module attributes {stable_mosaic.version = 14 : i64} {
  func.func @_tc_body(%arg0: i32, %arg1: memref<512x2048xf32, #tpu.memory_space<vmem>>, %arg2: memref<512x2048xf32, #tpu.memory_space<vmem>>) attributes {dimension_semantics = [#tpu.dimension_semantics<arbitrary>], iteration_bounds = array<i64: 6>, scalar_prefetch = 0 : i64, scratch_operands = 0 : i64, tpu.core_type = #tpu.core_type<tc>, window_params = [{transform_indices = @transform_0, window_bounds = array<i64: 512, 2048>}, {transform_indices = @transform_1, window_bounds = array<i64: 512, 2048>}]} {
    %broadcast_in_dim3A = arith.constant 1.000000e+00 : f32
    %broadcast_in_dim3A_0 = vector.broadcast %broadcast_in_dim3A : f32 to vector<256x256xf32>
    %iota3A = tpu.iota {dimensions = array<i32: 0>} : vector<256x256xi32>
    %add3A = arith.constant -1 : i32
    %add3A_1 = vector.broadcast %add3A : i32 to vector<256x256xi32>
    %add3A_2 = arith.addi %iota3A, %add3A_1 : vector<256x256xi32>
    %iota3A_3 = tpu.iota {dimensions = array<i32: 1>} : vector<256x256xi32>
    %ge3A = arith.cmpi sge, %add3A_2, %iota3A_3 : vector<256x256xi32>
    %broadcast_in_dim3A_4 = arith.constant 0.000000e+00 : f32
    %broadcast_in_dim3A_5 = vector.broadcast %broadcast_in_dim3A_4 : f32 to vector<256x256xf32>
    %select_n3A = arith.select %ge3A, %broadcast_in_dim3A_5, %broadcast_in_dim3A_0 : vector<256x256xi1>, vector<256x256xf32>
    %broadcast_in_dim3A_6 = arith.constant 0.000000e+00 : f32
    %broadcast_in_dim3A_7 = vector.broadcast %broadcast_in_dim3A_6 : f32 to vector<512x1xf32>
    %get3A = arith.constant 0 : index
    %get3A_8 = arith.constant 0 : index
    %get3A_9 = vector.load %arg1[%get3A, %get3A_8] : memref<512x2048xf32, #tpu.memory_space<vmem>>, vector<512x256xf32>
    %dot_general3A = arith.constant dense<0.000000e+00> : vector<512x256xf32>
    %dot_general3A_10 = tpu.matmul %get3A_9, %select_n3A, %dot_general3A {dimension_numbers = #tpu.dot_dimension_numbers<[1], [0], [0], [1], [0, 0, 1, 1], [], []>, transpose_lhs_hint = false} : vector<512x256xf32>, vector<256x256xf32>, vector<512x256xf32> -> vector<512x256xf32>
    %add3A_11 = vector.broadcast %broadcast_in_dim3A_7 : vector<512x1xf32> to vector<512x256xf32>
    %add3A_12 = arith.addf %dot_general3A_10, %add3A_11 : vector<512x256xf32>
    %swap3A = arith.constant 0 : index
    %swap3A_13 = arith.constant 0 : index
    %swap3A_14 = vector.load %arg2[%swap3A, %swap3A_13] : memref<512x2048xf32, #tpu.memory_space<vmem>>, vector<512x256xf32>
    tpu.vector_store %arg2[%swap3A, %swap3A_13], %add3A_12 {strides = array<i32>} : memref<512x2048xf32, #tpu.memory_space<vmem>>, vector<512x256xf32>,
    %slice3A = vector.extract_strided_slice %dot_general3A_10 {offsets = [0, 255], sizes = [512, 1], strides = [1, 1]} : vector<512x256xf32> to vector<512x1xf32>
    %add3A_15 = arith.addf %broadcast_in_dim3A_7, %slice3A : vector<512x1xf32>
    %get3A_16 = arith.constant 0 : index
    %get3A_17 = arith.constant 256 : index
    %get3A_18 = vector.load %arg1[%get3A_16, %get3A_17] : memref<512x2048xf32, #tpu.memory_space<vmem>>, vector<512x256xf32>
    %dot_general3A_19 = arith.constant dense<0.000000e+00> : vector<512x256xf32>
    %dot_general3A_20 = tpu.matmul %get3A_18, %select_n3A, %dot_general3A_19 {dimension_numbers = #tpu.dot_dimension_numbers<[1], [0], [0], [1], [0, 0, 1, 1], [], []>, transpose_lhs_hint = false} : vector<512x256xf32>, vector<256x256xf32>, vector<512x256xf32> -> vector<512x256xf32>
    %add3A_21 = vector.broadcast %add3A_15 : vector<512x1xf32> to vector<512x256xf32>
    %add3A_22 = arith.addf %dot_general3A_20, %add3A_21 : vector<512x256xf32>
    %swap3A_23 = arith.constant 0 : index
    %swap3A_24 = arith.constant 256 : index
    %swap3A_25 = vector.load %arg2[%swap3A_23, %swap3A_24] : memref<512x2048xf32, #tpu.memory_space<vmem>>, vector<512x256xf32>
    tpu.vector_store %arg2[%swap3A_23, %swap3A_24], %add3A_22 {strides = array<i32>} : memref<512x2048xf32, #tpu.memory_space<vmem>>, vector<512x256xf32>,
    %slice3A_26 = vector.extract_strided_slice %dot_general3A_20 {offsets = [0, 255], sizes = [512, 1], strides = [1, 1]} : vector<512x256xf32> to vector<512x1xf32>
    %add3A_27 = arith.addf %add3A_15, %slice3A_26 : vector<512x1xf32>
    %get3A_28 = arith.constant 0 : index
    %get3A_29 = arith.constant 512 : index
    %get3A_30 = vector.load %arg1[%get3A_28, %get3A_29] : memref<512x2048xf32, #tpu.memory_space<vmem>>, vector<512x256xf32>
    %dot_general3A_31 = arith.constant dense<0.000000e+00> : vector<512x256xf32>
    %dot_general3A_32 = tpu.matmul %get3A_30, %select_n3A, %dot_general3A_31 {dimension_numbers = #tpu.dot_dimension_numbers<[1], [0], [0], [1], [0, 0, 1, 1], [], []>, transpose_lhs_hint = false} : vector<512x256xf32>, vector<256x256xf32>, vector<512x256xf32> -> vector<512x256xf32>
    %add3A_33 = vector.broadcast %add3A_27 : vector<512x1xf32> to vector<512x256xf32>
    %add3A_34 = arith.addf %dot_general3A_32, %add3A_33 : vector<512x256xf32>
    %swap3A_35 = arith.constant 0 : index
    %swap3A_36 = arith.constant 512 : index
    %swap3A_37 = vector.load %arg2[%swap3A_35, %swap3A_36] : memref<512x2048xf32, #tpu.memory_space<vmem>>, vector<512x256xf32>
    tpu.vector_store %arg2[%swap3A_35, %swap3A_36], %add3A_34 {strides = array<i32>} : memref<512x2048xf32, #tpu.memory_space<vmem>>, vector<512x256xf32>,
    %slice3A_38 = vector.extract_strided_slice %dot_general3A_32 {offsets = [0, 255], sizes = [512, 1], strides = [1, 1]} : vector<512x256xf32> to vector<512x1xf32>
    %add3A_39 = arith.addf %add3A_27, %slice3A_38 : vector<512x1xf32>
    %get3A_40 = arith.constant 0 : index
    %get3A_41 = arith.constant 768 : index
    %get3A_42 = vector.load %arg1[%get3A_40, %get3A_41] : memref<512x2048xf32, #tpu.memory_space<vmem>>, vector<512x256xf32>
    %dot_general3A_43 = arith.constant dense<0.000000e+00> : vector<512x256xf32>
    %dot_general3A_44 = tpu.matmul %get3A_42, %select_n3A, %dot_general3A_43 {dimension_numbers = #tpu.dot_dimension_numbers<[1], [0], [0], [1], [0, 0, 1, 1], [], []>, transpose_lhs_hint = false} : vector<512x256xf32>, vector<256x256xf32>, vector<512x256xf32> -> vector<512x256xf32>
    %add3A_45 = vector.broadcast %add3A_39 : vector<512x1xf32> to vector<512x256xf32>
    %add3A_46 = arith.addf %dot_general3A_44, %add3A_45 : vector<512x256xf32>
    %swap3A_47 = arith.constant 0 : index
    %swap3A_48 = arith.constant 768 : index
    %swap3A_49 = vector.load %arg2[%swap3A_47, %swap3A_48] : memref<512x2048xf32, #tpu.memory_space<vmem>>, vector<512x256xf32>
    tpu.vector_store %arg2[%swap3A_47, %swap3A_48], %add3A_46 {strides = array<i32>} : memref<512x2048xf32, #tpu.memory_space<vmem>>, vector<512x256xf32>,
    %slice3A_50 = vector.extract_strided_slice %dot_general3A_44 {offsets = [0, 255], sizes = [512, 1], strides = [1, 1]} : vector<512x256xf32> to vector<512x1xf32>
    %add3A_51 = arith.addf %add3A_39, %slice3A_50 : vector<512x1xf32>
    %get3A_52 = arith.constant 0 : index
    %get3A_53 = arith.constant 1024 : index
    %get3A_54 = vector.load %arg1[%get3A_52, %get3A_53] : memref<512x2048xf32, #tpu.memory_space<vmem>>, vector<512x256xf32>
    %dot_general3A_55 = arith.constant dense<0.000000e+00> : vector<512x256xf32>
    %dot_general3A_56 = tpu.matmul %get3A_54, %select_n3A, %dot_general3A_55 {dimension_numbers = #tpu.dot_dimension_numbers<[1], [0], [0], [1], [0, 0, 1, 1], [], []>, transpose_lhs_hint = false} : vector<512x256xf32>, vector<256x256xf32>, vector<512x256xf32> -> vector<512x256xf32>
    %add3A_57 = vector.broadcast %add3A_51 : vector<512x1xf32> to vector<512x256xf32>
    %add3A_58 = arith.addf %dot_general3A_56, %add3A_57 : vector<512x256xf32>
    %swap3A_59 = arith.constant 0 : index
    %swap3A_60 = arith.constant 1024 : index
    %swap3A_61 = vector.load %arg2[%swap3A_59, %swap3A_60] : memref<512x2048xf32, #tpu.memory_space<vmem>>, vector<512x256xf32>
    tpu.vector_store %arg2[%swap3A_59, %swap3A_60], %add3A_58 {strides = array<i32>} : memref<512x2048xf32, #tpu.memory_space<vmem>>, vector<512x256xf32>,
    %slice3A_62 = vector.extract_strided_slice %dot_general3A_56 {offsets = [0, 255], sizes = [512, 1], strides = [1, 1]} : vector<512x256xf32> to vector<512x1xf32>
    %add3A_63 = arith.addf %add3A_51, %slice3A_62 : vector<512x1xf32>
    %get3A_64 = arith.constant 0 : index
    %get3A_65 = arith.constant 1280 : index
    %get3A_66 = vector.load %arg1[%get3A_64, %get3A_65] : memref<512x2048xf32, #tpu.memory_space<vmem>>, vector<512x256xf32>
    %dot_general3A_67 = arith.constant dense<0.000000e+00> : vector<512x256xf32>
    %dot_general3A_68 = tpu.matmul %get3A_66, %select_n3A, %dot_general3A_67 {dimension_numbers = #tpu.dot_dimension_numbers<[1], [0], [0], [1], [0, 0, 1, 1], [], []>, transpose_lhs_hint = false} : vector<512x256xf32>, vector<256x256xf32>, vector<512x256xf32> -> vector<512x256xf32>
    %add3A_69 = vector.broadcast %add3A_63 : vector<512x1xf32> to vector<512x256xf32>
    %add3A_70 = arith.addf %dot_general3A_68, %add3A_69 : vector<512x256xf32>
    %swap3A_71 = arith.constant 0 : index
    %swap3A_72 = arith.constant 1280 : index
    %swap3A_73 = vector.load %arg2[%swap3A_71, %swap3A_72] : memref<512x2048xf32, #tpu.memory_space<vmem>>, vector<512x256xf32>
    tpu.vector_store %arg2[%swap3A_71, %swap3A_72], %add3A_70 {strides = array<i32>} : memref<512x2048xf32, #tpu.memory_space<vmem>>, vector<512x256xf32>,
    %slice3A_74 = vector.extract_strided_slice %dot_general3A_68 {offsets = [0, 255], sizes = [512, 1], strides = [1, 1]} : vector<512x256xf32> to vector<512x1xf32>
    %add3A_75 = arith.addf %add3A_63, %slice3A_74 : vector<512x1xf32>
    %get3A_76 = arith.constant 0 : index
    %get3A_77 = arith.constant 1536 : index
    %get3A_78 = vector.load %arg1[%get3A_76, %get3A_77] : memref<512x2048xf32, #tpu.memory_space<vmem>>, vector<512x256xf32>
    %dot_general3A_79 = arith.constant dense<0.000000e+00> : vector<512x256xf32>
    %dot_general3A_80 = tpu.matmul %get3A_78, %select_n3A, %dot_general3A_79 {dimension_numbers = #tpu.dot_dimension_numbers<[1], [0], [0], [1], [0, 0, 1, 1], [], []>, transpose_lhs_hint = false} : vector<512x256xf32>, vector<256x256xf32>, vector<512x256xf32> -> vector<512x256xf32>
    %add3A_81 = vector.broadcast %add3A_75 : vector<512x1xf32> to vector<512x256xf32>
    %add3A_82 = arith.addf %dot_general3A_80, %add3A_81 : vector<512x256xf32>
    %swap3A_83 = arith.constant 0 : index
    %swap3A_84 = arith.constant 1536 : index
    %swap3A_85 = vector.load %arg2[%swap3A_83, %swap3A_84] : memref<512x2048xf32, #tpu.memory_space<vmem>>, vector<512x256xf32>
    tpu.vector_store %arg2[%swap3A_83, %swap3A_84], %add3A_82 {strides = array<i32>} : memref<512x2048xf32, #tpu.memory_space<vmem>>, vector<512x256xf32>,
    %slice3A_86 = vector.extract_strided_slice %dot_general3A_80 {offsets = [0, 255], sizes = [512, 1], strides = [1, 1]} : vector<512x256xf32> to vector<512x1xf32>
    %add3A_87 = arith.addf %add3A_75, %slice3A_86 : vector<512x1xf32>
    %get3A_88 = arith.constant 0 : index
    %get3A_89 = arith.constant 1792 : index
    %get3A_90 = vector.load %arg1[%get3A_88, %get3A_89] : memref<512x2048xf32, #tpu.memory_space<vmem>>, vector<512x256xf32>
    %dot_general3A_91 = arith.constant dense<0.000000e+00> : vector<512x256xf32>
    %dot_general3A_92 = tpu.matmul %get3A_90, %select_n3A, %dot_general3A_91 {dimension_numbers = #tpu.dot_dimension_numbers<[1], [0], [0], [1], [0, 0, 1, 1], [], []>, transpose_lhs_hint = false} : vector<512x256xf32>, vector<256x256xf32>, vector<512x256xf32> -> vector<512x256xf32>
    %add3A_93 = vector.broadcast %add3A_87 : vector<512x1xf32> to vector<512x256xf32>
    %add3A_94 = arith.addf %dot_general3A_92, %add3A_93 : vector<512x256xf32>
    %swap3A_95 = arith.constant 0 : index
    %swap3A_96 = arith.constant 1792 : index
    %swap3A_97 = vector.load %arg2[%swap3A_95, %swap3A_96] : memref<512x2048xf32, #tpu.memory_space<vmem>>, vector<512x256xf32>
    tpu.vector_store %arg2[%swap3A_95, %swap3A_96], %add3A_94 {strides = array<i32>} : memref<512x2048xf32, #tpu.memory_space<vmem>>, vector<512x256xf32>,
    return
  }
  func.func @transform_0(%arg0: i32) -> (i32, i32) {
    %add3A = arith.constant 2 : i32
    %add3A_0 = arith.addi %add3A, %arg0 : i32
    %c0_i32 = arith.constant 0 : i32
    %c0_i32_1 = arith.constant 0 : i32
    return %add3A_0, %c0_i32 : i32, i32
  }
  func.func @transform_1(%arg0: i32) -> (i32, i32) {
    %add3A = arith.constant 2 : i32
    %add3A_0 = arith.addi %add3A, %arg0 : i32
    %c0_i32 = arith.constant 0 : i32
    %c0_i32_1 = arith.constant 0 : i32
    return %add3A_0, %c0_i32 : i32, i32
  }
}

</mosaic_0001>

<sc_bundles>
// kernel: kernel.4.cloned.1.call-start
scs
__scs_entry_jumppad:
0x0: {  	(pc) =	sbr.rel $0x88, $3  }
0x1: {  	(tag) =	ssettag $0x0;
	lr =	simm.s32 $0x1  }
0x2: {  	[smem:$0x3FA0] =	sst lr;
	_ =	strace $0xD0000000  }
0x3: {  	_ = 	snop  }
0x4: {  	_ = 	snop  }
0x5: {  	_ = 	snop  }
0x6: {  	_ = 	snop  }
0x7: {  	_ = 	snop  }
__scs_overlays_trampoline_lowered:
0x8: {  	[smem:$0x3FAF] =	sst s0  }
0x9: {  	[smem:$0x3FB0] =	sst s1  }
0xa: {  	[smem:$0x3FB1] =	sst s2  }
0xb: {  	[smem:$0x3FB2] =	sst s3  }
0xc: {  	[smem:$0x3FB3] =	sst s4  }
0xd: {  	[smem:$0x3FB4] =	sst s5  }
0xe: {  	[smem:$0x3FB5] =	sst s6  }
0xf: {  	[smem:$0x3FB6] =	sst s7  }
0x10: {  	[smem:$0x3FB7] =	sst s8  }
0x11: {  	[smem:$0x3FB8] =	sst s9;
	s0 =	simm.s32 @!p0 $0x0  }
0x12: {  	s1 =	sld [smem:$0x3F9E];
	s0 =	simm.s32 @p0 $0x1  }
0x13: {  	[smem:$0x3FB9] =	sst s0;
	s0 =	simm.s32 @!p1 $0x0  }
0x14: {  	s2 =	sld [smem:$0x3F9D];
	s0 =	simm.s32 @p1 $0x1  }
0x15: {  	[smem:$0x3FBA] =	sst s0;
	s0 =	simm.s32 @!p2 $0x0  }
0x16: {  	s3 =	sld [smem:$0x3FDB];
	s0 =	simm.s32 @p2 $0x1  }
0x17: {  	s4 =	simm.s32 $0x1BF5;
	[smem:$0x3FBC] =	sst s0  }
0x18: {  	s0 =	sld [smem:$0x3F9F];
	_ =	swait.ge [sflag:s4], $0x0  }
0x19: {  	s7 =	sld [smem:$0x3FA0]  }
0x1a: {  	s8 =	sadd.s32 $0xFFFFE003, lr  }
0x1b: {  	s9 =	sadd.s32 $0xFFFFFEF7, lr;
	s5 =	simm.s32 $0xFFFFFFFF;
	p2 =	slt.u32 s8, $0xFFFFF086  }
0x1c: {  	p1 =	slt.u32 s9, $0xF7A;
	s5 =	simm.s32 @!p2 $0x0  }
0x1d: {  	s5 =	simm.s32 @p1 $0x1;
	p0 =	seq.s32 s7, s2  }
0x1e: {  	s7 =	smul.u32 @!p0 $0xF7A, s2;
	p2 =	seq.s32 @!p0 s5, $0x0  }
0x1f: {  	s9 =	smul.u32 $0xF7A, s1;
	s8 =	simm.s32 @!p0 $0x1BF5;
	p2 =	por !p2, p0  }
0x20: {  	[sflag:s8] =	ssyncset.s32 @!p0 $0xFFFFF086;
	s6 =	sadd.s32 @!p0 s3, s7;
	s7 =	simm.s32 @!p0 $0x108  }
0x21: {  	s3 =	sadd.s32 s3, s9;
	s6 =	sadd.s32 @!p0 $0x88, s6;
	s7 =	simm.s32 @p2 $0x1082  }
0x22: {  	[simem:s7], [sflag:s8] =	dma.local @!p0 [hbm:s6], $0xF7A  }
0x23: {  	s9 =	sor.u32 $0xD0000000, s2;
	s6 =	simm.s32 $0x108;
	_ =	swait.ge @!p0 [sflag:s8], $0x0  }
0x24: {  	s3 =	sadd.s32 $0x88, s3;
	s6 =	simm.s32 @!p1 $0x1082;
	[sflag:s4] =	ssyncset.s32 $0xFFFFF086  }
0x25: {  	[simem:s6], [sflag:s4] =	dma.local [hbm:s3], $0xF7A  }
0x26: {  	[smem:$0x3FA0] =	sst s1;
	(tag) =	ssettag s2;
	_ =	strace s9  }
0x27: {  	s1 =	sld [smem:$0x3FB0]  }
0x28: {  	s2 =	sld [smem:$0x3FB1]  }
0x29: {  	s4 =	sld [smem:$0x3FB3]  }
0x2a: {  	p0 =	seq.s32 s5, $0x0;
	s5 =	sld [smem:$0x3FB4]  }
0x2b: {  	s6 =	sld [smem:$0x3FB5]  }
0x2c: {  	s7 =	sld [smem:$0x3FB6]  }
0x2d: {  	s3 =	simm.s32 $0x108;
	s8 =	sld [smem:$0x3FB7]  }
0x2e: {  	s3 =	simm.s32 @!p0 $0x1082;
	s9 =	sld [smem:$0x3FB8]  }
0x2f: {  	lr =	sadd.s32 s0, s3;
	s0 =	sld [smem:$0x3FAF]  }
0x30: {  	s3 =	sld [smem:$0x3FB2]  }
0x31: {  	[smem:$0x3FBB] =	sst s10  }
0x32: {  	s10 =	sld [smem:$0x3FB9];
	_ =	sdelay $0x3  }
0x33: {  	p0 =	seq.s32 s10, $0x1;
	s10 =	sld [smem:$0x3FBB];
	_ =	sdelay $0x3  }
0x34: {  	[smem:$0x3FBB] =	sst s10  }
0x35: {  	s10 =	sld [smem:$0x3FBA];
	_ =	sdelay $0x3  }
0x36: {  	p1 =	seq.s32 s10, $0x1;
	s10 =	sld [smem:$0x3FBB];
	_ =	sdelay $0x3  }
0x37: {  	[smem:$0x3FBB] =	sst s10  }
0x38: {  	s10 =	sld [smem:$0x3FBC]  }
0x39: {  	_ = 	snop;
	(pc) =	sbr.ind lr, $3  }
0x3a: {  	_ = 	snop  }
0x3b: {  	_ = 	snop  }
0x3c: {  	p2 =	seq.s32 s10, $0x1;
	s10 =	sld [smem:$0x3FBB]  }
0x3d: {  	_ =	shalt  }
0x3e: {  	_ =	shalt  }
0x3f: {  	_ =	shalt  }
0x40: {  	_ =	shalt  }
0x41: {  	_ =	shalt  }
0x42: {  	_ =	shalt  }
0x43: {  	_ =	shalt  }
0x44: {  	_ =	shalt  }
0x45: {  	_ =	shalt  }
0x46: {  	_ =	shalt  }
0x47: {  	_ =	shalt  }
0x48: {  	_ =	shalt  }
0x49: {  	_ =	shalt  }
0x4a: {  	_ =	shalt  }
0x4b: {  	_ =	shalt  }
0x4c: {  	_ =	shalt  }
0x4d: {  	_ =	shalt  }
0x4e: {  	_ =	shalt  }
0x4f: {  	_ =	shalt  }
0x50: {  	_ =	shalt  }
0x51: {  	_ =	shalt  }
0x52: {  	_ =	shalt  }
0x53: {  	_ =	shalt  }
0x54: {  	_ =	shalt  }
0x55: {  	_ =	shalt  }
0x56: {  	_ =	shalt  }
0x57: {  	_ =	shalt  }
0x58: {  	_ =	shalt  }
0x59: {  	_ =	shalt  }
0x5a: {  	_ =	shalt  }
0x5b: {  	_ =	shalt  }
0x5c: {  	_ =	shalt  }
0x5d: {  	_ =	shalt  }
0x5e: {  	_ =	shalt  }
0x5f: {  	_ =	shalt  }
0x60: {  	_ =	shalt  }
0x61: {  	_ =	shalt  }
0x62: {  	_ =	shalt  }
0x63: {  	_ =	shalt  }
0x64: {  	_ =	shalt  }
0x65: {  	_ =	shalt  }
0x66: {  	_ =	shalt  }
0x67: {  	_ =	shalt  }
0x68: {  	_ =	shalt  }
0x69: {  	_ =	shalt  }
0x6a: {  	_ =	shalt  }
0x6b: {  	_ =	shalt  }
0x6c: {  	_ =	shalt  }
0x6d: {  	_ =	shalt  }
0x6e: {  	_ =	shalt  }
0x6f: {  	_ =	shalt  }
0x70: {  	_ =	shalt  }
0x71: {  	_ =	shalt  }
0x72: {  	_ =	shalt  }
0x73: {  	_ =	shalt  }
0x74: {  	_ =	shalt  }
0x75: {  	_ =	shalt  }
0x76: {  	_ =	shalt  }
0x77: {  	_ =	shalt  }
0x78: {  	_ =	shalt  }
0x79: {  	_ =	shalt  }
0x7a: {  	_ =	shalt  }
0x7b: {  	_ =	shalt  }
0x7c: {  	_ =	shalt  }
0x7d: {  	_ =	shalt  }
0x7e: {  	_ =	shalt  }
0x7f: {  	_ =	shalt  }
0x80: {  	_ =	shalt  }
0x81: {  	_ =	shalt  }
0x82: {  	_ =	shalt  }
0x83: {  	_ =	shalt  }
0x84: {  	_ =	shalt  }
0x85: {  	_ =	shalt  }
0x86: {  	_ =	shalt  }
0x87: {  	_ =	shalt  }
.Lfunc_end0:
.L_simem_size_0:
called_computation_lowered:
.L_overlay_start_0:
0x88: {  	s2 =	sld [smem:$0x3FD9]  }
0x89: {  	s3 =	sld [smem:$0x3FFE];
	_ =	sdelay $0x1  }
0x8a: {  	s1 =	srdreg.scid  }
0x8b: {  	s0 =	sand.u32 $0x1, s1  }
0x8c: {  	s17 =	sshll.u32 s0, $0xA;
	s2 =	sadd.s32 s3, s2  }
0x8d: {  	s2 =	sadd.s32 s2, s17  }
0x8e: {  	[smem:$0x3FC7] =	sst s2  }
0x8f: {  	_ = 	snop  }
0x90: {  	s2 =	sld [smem:$0x3FC9];
	(tm) =	ssettm $0x1  }
0x91: {  	s18 =	sld [smem:$0x3FFB];
	_ =	sdelay $0x3  }
0x92: {  	_ =	strace s18  }
0x93: {  	s3 =	sld [smem:$0x3FFC];
	_ =	sdelay $0x3  }
0x94: {  	_ =	strace s3  }
0x95: {  	s3 =	sld [smem:$0x3FFD];
	_ =	sdelay $0x3  }
0x96: {  	_ =	strace s3  }
0x97: {  	_ =	strace $0x8FFFFFFF  }
0x98: {  	s19 =	sld [smem:$0x3FDB];
	_ =	sdelay $0x1  }
0x99: {  	s4 =	simm.s32 $_scs_section_size  }
0x9a: {  	s5 =	simm.s32 $_size__tile_overlayer_lowered;
	s6 =	simm.s32 $_tile_overlayer_lowered  }
0x9b: {  	s22 =	simm.s32 $0x1BFF;
	s21 =	sshll.u32 s6, $0x1;
	s3 =	sadd.s32 s4, s19  }
0x9c: {  	s7 =	simm.s32 $0x0;
	s20 =	sshll.u32 s5, $0x1;
	s5 =	sadd.s32 s21, s3  }
0x9d: {  	[timem:s7], [sflag:s22] =	dma.local [hbm:s5], s20  }
0x9e: {  	_ =	swait.ge [sflag:s22], s20  }
0x9f: {  	s4 =	ssub.s32 $0x0, s20;
	[sflag:s22] =	ssyncset.done $0x0  }
0xa0: {  	[sflag:s22] =	ssyncadd.s32 s4;
	_ =	sdelay $0x1  }
0xa1: {  	s23 =	simm.s32 $0x1B8B  }
0xa2: {  	_ =	swait.ge [sflag:s23], $0x1  }
0xa3: {  	[sflag:s23] =	ssyncset.done $0x0  }
0xa4: {  	s25 =	simm.s32 $0x1B8E;
	s24 =	sld [smem:$0x3FFE];
	[sflag:s23] =	ssyncadd.s32 $0xFFFFFFFF  }
0xa5: {  	s26 =	simm.s32 $execute0_lowered;
	[smem:$0x3FD2] =	sst s25  }
0xa6: {  	s5 =	sshll.u32 s26, $0x1;
	_ =	strace $0x80000046;
	[dreg:$0x1] =	wrdreg $0xFFFFFFFF  }
0xa7: {  	s28 =	simm.s32 $_size_execute0_lowered;
	s3 =	sadd.s32 s3, s5;
	[dreg:$0x0] =	wrdreg $0x0  }
0xa8: {  	s5 =	sshll.u32 s28, $0x1;
	[dreg:$0x2] =	wrdreg s3  }
0xa9: {  	[dreg:$0x3] =	wrdreg s5  }
0xaa: {  	[dreg:$0x4] =	wrdreg $0xC0  }
0xab: {  	_ =	task [dreg:s7], $0x5FFFF  }
0xac: {  	[dreg:$0x1] =	wrdreg $0xFFFFFFFF  }
0xad: {  	[dreg:$0x0] =	wrdreg $0x60  }
0xae: {  	[dreg:$0x2] =	wrdreg s2  }
0xaf: {  	[dreg:$0x3] =	wrdreg s24  }
0xb0: {  	[dreg:$0x4] =	wrdreg $0x9  }
0xb1: {  	_ =	task.clear_ibuf [dreg:s7], $0x5FFFF;
	_ =	strace $0x90000046  }
0xb2: {  	s29 =	simm.s32 $0x9;
	_ =	strace $0x80000048  }
0xb3: {  	_ =	swait.ge [sflag:s29], $0x1  }
0xb4: {  	[sflag:s29] =	ssyncadd.s32 $0xFFFFFFFF  }
0xb5: {  	_ =	strace $0x90000048  }
0xb6: {  	_ =	sfence  }
0xb7: {  	s30 =	sld [smem:$0x0];
	_ =	sdelay $0x2  }
0xb8: {  	s31 =	sshll.u32 s1, $0xD;
	s1 =	sshrl.u32 s1, $0x2  }
0xb9: {  	s3 =	sand.u32 $0x4000, s31;
	s1 =	sadd.s32 s1, s30  }
0xba: {  	s0 =	sor.u32 s3, s0;
	s1 =	sshll.u32 s1, $0x11  }
0xbb: {  	s0 =	sor.u32 s1, s0  }
0xbc: {  	s0 =	sadd.s32 $0x8F2B, s0  }
0xbd: {  	[sflag:s0] =	ssyncadd.remote.s32 $0x1  }
0xbe: {  	_ =	sfence.sel $0xFFFF  }
0xbf: {  	[dreg:$0x0] =	wrdreg $0xFFFFFFFF;
	(pc) =	sbr.abs _section_cstart, $3  }
0xc0: {  	[dreg:$0x1] =	wrdreg $0xFFFFFFFF  }
0xc1: {  	_ =	task.clear_ibuf [dreg:s7], $0x2FFFF;
	_ =	strace $0x9FFFFFFF  }
0xc2: {  	(tm) =	ssettm $0x7FFFFFFF  }
0xc3: {  	_ =	shalt  }
tec
execute0_lowered:
.L_overlay_start_1:
0x0: {  	(tag) =	ssettag $0x1  }
0x1: {  	s4 =	rddreg [dreg:$0x0]  }
0x2: {  	s3 =	rddreg [dreg:$0x1]  }
0x3: {  	s0 =	rddreg [dreg:$0x2];
	s5 =	srdreg.scid  }
0x4: {  	s2 =	simm.s32 $0x0;
	s1 =	stileid.u32;
	s10 =	simm.s32 $0x2  }
0x5: {  	s11 =	simm.s32 $0x3;
	s12 =	simm.s32 $0x4;
	s13 =	simm.s32 $0x0  }
0x6: {  	s5 =	sand.u32 $0x1, s5;
	[smem:$0x7FF] =	sst s2;
	s6 =	sshll.u32 s1, $0xE  }
0x7: {  	s30 =	sadd.s32 $0x400, s3;
	s7 =	sshll.u32 s5, $0xD;
	s5 =	ssub.s32 $0x2, s5  }
0x8: {  	_ =	strace $0x80000047;
	s6 =	sor.u32 s7, s6;
	s31 =	sshrl.u32 s5, $0x1  }
0x9: {  	s8 =	sor.u32 $0x1000, s6;
	s9 =	ssub.s32 s5, s31;
	s3 =	sadd.s32 s4, s6  }
0xa: {  	s5 =	sadd.s32 s30, s6;
	s4 =	sadd.s32 s4, s8;
	s6 =	sadd.s32 s30, s8  }
0xb: {  	v0 =	vimm.s32 $0xF;
	s7 =	smax.u32 s9, $0x1;
	s8 =	simm.s32 $0x1;
	s9 =	simm.s32 $0x8000  }
.LBB2_1:
0xc: {  	[tilespmem:s2], [sflag:$0x1] =	stream.linear.gather [hbm4b:s3+s2], $0x8000, $0x38;
	[tilespmem:$0x10000] =	vst v63  }
0xd: {  	_ =	swait.ge [sflag:s8], $0x8000  }
0xe: {  	s14 =	simm.s32 $0x0;
	[sflag:s8] =	ssyncset.done $0x0  }
0xf: {  	s15 =	simm.s32 $0x0;
	s16 =	simm.s32 $0x0;
	[sflag:s8] =	ssyncadd.s32 $0xFFFF8000  }
0x10: {  	[tilespmem:s9], [sflag:$0x2] =	stream.linear.gather [hbm4b:s4+s2], $0x8000, $0x38;
	[tilespmem:$0x10000] =	vst v63  }
.LBB2_2:
0x11: {  	s17 =	sshll.u32 s15, $0x2;
	s18 =	sand.u32 $0x7, s14  }
0x12: {  	s17 =	sand.u32 $0xFFFF0000, s17;
	s18 =	sshll.u32 s18, $0x9  }
0x13: {  	s17 =	sor.u32 s18, s17  }
0x14: {  	s17 =	sshrl.u32 s17, $0x2  }
0x15: {  	s19 =	sor.u32 $0x40, s17  }
0x16: {  	v1 =	vld [tilespmem:s19+$0xFFFFFFC0];
	_ =	sdelay $0x2  }
0x17: {  	v2 =	vld [tilespmem:s19+$0xFFFFFFD0];
	_ =	sdelay $0x1  }
0x18: {  	(xrf2) =	vadd.scan.msk.f32 $0xffff, v1;
	_ =	sdelay $0x1  }
0x19: {  	v1 =	vld [tilespmem:s19+$0xFFFFFFE0]  }
0x1a: {  	(xrf2) =	vadd.scan.msk.f32 $0xffff, v2;
	_ =	sdelay $0x1  }
0x1b: {  	v3 =	vld [tilespmem:s19+$0xFFFFFFF0];
	_ =	sdelay $0x1  }
0x1c: {  	(xrf2) =	vadd.scan.msk.f32 $0xffff, v1  }
0x1d: {  	v4 =	vld [tilespmem:s19+$0x0];
	_ =	sdelay $0x1  }
0x1e: {  	v5, _, _ =	vpop (xrf2);
	(xrf2) =	vadd.scan.msk.f32 $0xffff, v3  }
0x1f: {  	v7 =	vld [tilespmem:s19+$0x10];
	v8 =	vperm.xlane v5, v0  }
0x20: {  	v6 =	vimm.f32 $0.0e+00;
	s18 =	sadd.s32 $0x400, s19  }
0x21: {  	v2 =	vld [tilespmem:s18+$0xFFFFFFF0];
	v10, _, _ =	vpop (xrf2);
	(xrf2) =	vadd.scan.msk.f32 $0xffff, v4;
	v8 =	vadd.f32 v8, v6  }
0x22: {  	s20 =	sadd.s32 $0x400, s18;
	v9 =	vadd.f32 v5, v6;
	v5 =	vld [tilespmem:s19+$0x20]  }
0x23: {  	v1 =	vld [tilespmem:s20+$0xFFFFFFF0];
	v11 =	vperm.xlane v10, v0  }
0x24: {  	v4 =	vld [tilespmem:s19+$0x30];
	(xrf2) =	vadd.scan.msk.f32 $0xffff, v7;
	[tilespmem:s19+$0xFFFFFFC0] =	vst v9  }
0x25: {  	s21 =	simm.s32 $0x10;
	s17 =	smov.u32 s20;
	v3 =	vld [tilespmem:s18+$0xFFFFFFC0];
	v6 =	vadd.f32 v10, v8;
	v7 =	vadd.f32 v11, v8;
	v8, _, _ =	vpop (xrf2)  }
.LBB2_3:
0x26: {  	s21 =	sadd.s32 $0x8, s21;
	v9 =	vperm.xlane v8, v0  }
0x27: {  	p0 =	slt.u32 s21, $0x78;
	[tilespmem:s19+$0xFFFFFFD0] =	vst v6;
	v6 =	vadd.f32 v8, v7;
	(xrf2) =	vadd.scan.msk.f32 $0xffff, v5  }
0x28: {  	v5 =	vld [tilespmem:s18+$0xFFFFFFD0];
	v7 =	vadd.f32 v9, v7;
	v8, _, _ =	vpop (xrf2)  }
0x29: {  	[tilespmem:s19+$0xFFFFFFE0] =	vst v6  }
0x2a: {  	v6 =	vadd.f32 v8, v7;
	(xrf2) =	vadd.scan.msk.f32 $0xffff, v4  }
0x2b: {  	v4, _, _ =	vpop (xrf2)  }
0x2c: {  	v9 =	vperm.xlane v8, v0;
	[tilespmem:s19+$0xFFFFFFF0] =	vst v6  }
0x2d: {  	(xrf2) =	vadd.scan.msk.f32 $0xffff, v3;
	v3 =	vperm.xlane v4, v0  }
0x2e: {  	v7 =	vadd.f32 v9, v7;
	v6 =	vld [tilespmem:s18+$0xFFFFFFE0];
	v8, _, _ =	vpop (xrf2);
	_ =	sdelay $0x1  }
0x2f: {  	v4 =	vadd.f32 v4, v7;
	v3 =	vadd.f32 v3, v7;
	(xrf2) =	vadd.scan.msk.f32 $0xffff, v5  }
0x30: {  	v5, _, _ =	vpop (xrf2)  }
0x31: {  	s20 =	sadd.s32 $0x400, s20;
	v10 =	vperm.xlane v8, v0;
	v7 =	vadd.f32 v8, v3;
	[tilespmem:s19+$0x0] =	vst v4  }
0x32: {  	v8 =	vld [tilespmem:s20+$0xFFFFFFF0];
	(xrf2) =	vadd.scan.msk.f32 $0xffff, v6;
	v6 =	vperm.xlane v5, v0  }
0x33: {  	v3 =	vadd.f32 v10, v3;
	v9 =	vld [tilespmem:s18+$0x0];
	[tilespmem:s19+$0x10] =	vst v7;
	v4, _, _ =	vpop (xrf2)  }
0x34: {  	v7 =	vld [tilespmem:s18+$0x10];
	v10 =	vperm.xlane v4, v0  }
0x35: {  	v5 =	vadd.f32 v5, v3;
	v3 =	vadd.f32 v6, v3;
	(xrf2) =	vadd.scan.msk.f32 $0xffff, v2;
	v2 =	vmov v1  }
0x36: {  	v6, _, _ =	vpop (xrf2)  }
0x37: {  	v4 =	vadd.f32 v4, v3;
	v10 =	vadd.f32 v10, v3;
	v11 =	vperm.xlane v6, v0;
	[tilespmem:s19+$0x20] =	vst v5  }
.Ltmp0:
0x38: {  	v1 =	vmov v8;
	(xrf2) =	vadd.scan.msk.f32 $0xffff, v9;
	(pc) =	sbr.rel @p0 .LBB2_3-.Ltmp0, $4  }
0x39: {  	v6 =	vadd.f32 v6, v10;
	v10 =	vadd.f32 v11, v10;
	v5 =	vld [tilespmem:s18+$0x20];
	v3, _, _ =	vpop (xrf2);
	[tilespmem:s19+$0x30] =	vst v4;
	s19 =	smov.u32 s18;
	s18 =	smov.u32 s17;
	s17 =	smov.u32 s20  }
0x3a: {  	v9 =	vperm.xlane v3, v0;
	v4 =	vld [tilespmem:s19+$0x30]  }
0x3b: {  	[tilespmem:s19+$0xFFFFFFC0] =	vst v6;
	v6 =	vadd.f32 v3, v10;
	(xrf2) =	vadd.scan.msk.f32 $0xffff, v7  }
0x3c: {  	v3 =	vld [tilespmem:s18+$0xFFFFFFC0];
	v7 =	vadd.f32 v9, v10;
	v8, _, _ =	vpop (xrf2)  }
0x3d: {  	v9 =	vperm.xlane v8, v0;
	_ =	sdelay $0x1  }
0x3e: {  	v9 =	vadd.f32 v9, v7  }
0x3f: {  	[tilespmem:s19+$0xFFFFFFD0] =	vst v6;
	v18 =	vadd.f32 v8, v7;
	v19, _, _ =	vpop (xrf2);
	(xrf2) =	vadd.scan.msk.f32 $0xffff, v5  }
0x40: {  	v20 =	vld [tilespmem:s18+$0xFFFFFFD0];
	v21 =	vadd.f32 v19, v9  }
0x41: {  	[tilespmem:s19+$0xFFFFFFE0] =	vst v18;
	(xrf2) =	vadd.scan.msk.f32 $0xffff, v4  }
0x42: {  	v22 =	vperm.xlane v19, v0;
	[tilespmem:s19+$0xFFFFFFF0] =	vst v21  }
0x43: {  	v23, _, _ =	vpop (xrf2);
	(xrf2) =	vadd.scan.msk.f32 $0xffff, v3;
	v24 =	vld [tilespmem:s18+$0xFFFFFFE0]  }
0x44: {  	v4 =	vadd.f32 v22, v9;
	v3 =	vperm.xlane v23, v0  }
0x45: {  	(xrf2) =	vadd.scan.msk.f32 $0xffff, v20  }
0x46: {  	v25 =	vadd.f32 v23, v4;
	v3 =	vadd.f32 v3, v4;
	v26, _, _ =	vpop (xrf2)  }
0x47: {  	v27 =	vperm.xlane v26, v0  }
0x48: {  	[tilespmem:s19+$0x0] =	vst v25;
	v4 =	vadd.f32 v26, v3;
	(xrf2) =	vadd.scan.msk.f32 $0xffff, v24  }
0x49: {  	v28 =	vld [tilespmem:s18+$0x0];
	v3 =	vadd.f32 v27, v3;
	v29, _, _ =	vpop (xrf2)  }
0x4a: {  	[tilespmem:s19+$0x10] =	vst v4;
	v30 =	vperm.xlane v29, v0  }
0x4b: {  	v31 =	vld [tilespmem:s18+$0x10];
	v32, _, _ =	vpop (xrf2);
	(xrf2) =	vadd.scan.msk.f32 $0xffff, v2;
	v2 =	vadd.f32 v29, v3  }
0x4c: {  	v33 =	vperm.xlane v32, v0;
	v3 =	vadd.f32 v30, v3  }
0x4d: {  	v34, _, _ =	vpop (xrf2);
	[tilespmem:s19+$0x20] =	vst v2  }
0x4e: {  	(xrf2) =	vadd.scan.msk.f32 $0xffff, v28;
	v2 =	vperm.xlane v34, v0;
	v35 =	vadd.f32 v33, v3;
	v3 =	vadd.f32 v32, v3  }
0x4f: {  	v36 =	vld [tilespmem:s18+$0x20];
	v37, _, _ =	vpop (xrf2)  }
0x50: {  	v38 =	vperm.xlane v37, v0;
	(xrf2) =	vadd.scan.msk.f32 $0xffff, v31;
	v2 =	vadd.f32 v2, v35  }
0x51: {  	v4 =	vadd.f32 v34, v35  }
0x52: {  	[tilespmem:s19+$0x30] =	vst v3;
	v5 =	vadd.f32 v38, v2;
	v2 =	vadd.f32 v37, v2;
	v3, _, _ =	vpop (xrf2)  }
0x53: {  	v39 =	vld [tilespmem:s18+$0x30];
	[tilespmem:s18+$0xFFFFFFC0] =	vst v4;
	v40 =	vperm.xlane v3, v0  }
0x54: {  	(xrf2) =	vadd.scan.msk.f32 $0xffff, v36;
	v4 =	vld [tilespmem:s17+$0xFFFFFFC0];
	[tilespmem:s18+$0xFFFFFFD0] =	vst v2;
	v2 =	vadd.f32 v3, v5  }
0x55: {  	v41 =	vadd.f32 v40, v5  }
0x56: {  	v3, _, _ =	vpop (xrf2)  }
0x57: {  	v43 =	vadd.f32 v3, v41;
	v3 =	vperm.xlane v3, v0  }
0x58: {  	v42 =	vld [tilespmem:s17+$0xFFFFFFD0];
	[tilespmem:s18+$0xFFFFFFE0] =	vst v2;
	v2, _, _ =	vpop (xrf2)  }
0x59: {  	(xrf2) =	vadd.scan.msk.f32 $0xffff, v39;
	v44 =	vperm.xlane v2, v0;
	v3 =	vadd.f32 v3, v41  }
0x5a: {  	v46, _, _ =	vpop (xrf2);
	[tilespmem:s18+$0xFFFFFFF0] =	vst v43  }
0x5b: {  	v47 =	vperm.xlane v46, v0;
	v45 =	vld [tilespmem:s17+$0xFFFFFFE0];
	v2 =	vadd.f32 v2, v3;
	v3 =	vadd.f32 v44, v3  }
0x5c: {  	(xrf2) =	vadd.scan.msk.f32 $0xffff, v4  }
0x5d: {  	[tilespmem:s18+$0x0] =	vst v2;
	v2 =	vadd.f32 v46, v3;
	v3 =	vadd.f32 v47, v3  }
0x5e: {  	(xrf2) =	vadd.scan.msk.f32 $0xffff, v42;
	v48, _, _ =	vpop (xrf2)  }
0x5f: {  	v49 =	vld [tilespmem:s17+$0x0];
	[tilespmem:s18+$0x10] =	vst v2;
	v2 =	vadd.f32 v48, v3  }
0x60: {  	v50 =	vperm.xlane v48, v0;
	(xrf2) =	vadd.scan.msk.f32 $0xffff, v45  }
0x61: {  	v51 =	vld [tilespmem:s17+$0x10]  }
0x62: {  	(xrf2) =	vadd.scan.msk.f32 $0xffff, v1;
	v1 =	vadd.f32 v50, v3;
	[tilespmem:s18+$0x20] =	vst v2  }
0x63: {  	v3 =	vld [tilespmem:s17+$0x20];
	v2, _, _ =	vpop (xrf2)  }
0x64: {  	(xrf2) =	vadd.scan.msk.f32 $0xffff, v49;
	v6 =	vadd.f32 v2, v1  }
0x65: {  	v2 =	vperm.xlane v2, v0  }
0x66: {  	v52, _, _ =	vpop (xrf2);
	(xrf2) =	vadd.scan.msk.f32 $0xffff, v51;
	[tilespmem:s18+$0x30] =	vst v6  }
0x67: {  	v53 =	vperm.xlane v52, v0;
	v1 =	vadd.f32 v2, v1;
	v2 =	vld [tilespmem:s17+$0x30]  }
0x68: {  	v54, _, _ =	vpop (xrf2);
	(xrf2) =	vadd.scan.msk.f32 $0xffff, v3  }
0x69: {  	v55 =	vperm.xlane v54, v0;
	v3 =	vadd.f32 v53, v1  }
0x6a: {  	v7, _, _ =	vpop (xrf2)  }
0x6b: {  	v4 =	vadd.f32 v55, v3;
	v56 =	vperm.xlane v7, v0  }
0x6c: {  	v57, _, _ =	vpop (xrf2);
	(xrf2) =	vadd.scan.msk.f32 $0xffff, v2  }
0x6d: {  	v58 =	vperm.xlane v57, v0;
	v2 =	vadd.f32 v56, v4  }
0x6e: {  	v1 =	vadd.f32 v52, v1;
	v10, _, _ =	vpop (xrf2)  }
0x6f: {  	v11 =	vperm.xlane v10, v0;
	v8 =	vadd.f32 v58, v2  }
0x70: {  	[tilespmem:s17+$0xFFFFFFC0] =	vst v1;
	v1 =	vadd.f32 v7, v4;
	v59, _, _ =	vpop (xrf2)  }
0x71: {  	v3 =	vadd.f32 v54, v3;
	v60 =	vadd.f32 v11, v8;
	v61 =	vperm.xlane v59, v0  }
0x72: {  	[tilespmem:s17+$0xFFFFFFE0] =	vst v1;
	v1 =	vadd.f32 v10, v8;
	v62, _, _ =	vpop (xrf2)  }
0x73: {  	s16 =	sadd.s32 $0x1, s16;
	[tilespmem:s17+$0xFFFFFFD0] =	vst v3;
	v2 =	vadd.f32 v57, v2;
	v3 =	vperm.xlane v62, v0;
	v63 =	vadd.f32 v61, v60  }
0x74: {  	p0 =	sne.s32 s16, $0x10  }
.Ltmp1:
0x75: {  	[tilespmem:s17+$0xFFFFFFF0] =	vst v2;
	v2 =	vadd.f32 v59, v60;
	v3 =	vadd.f32 v3, v63;
	(pc) =	sbr.rel @p0 .LBB2_2-.Ltmp1, $4  }
0x76: {  	[tilespmem:s17+$0x0] =	vst v1;
	v4 =	vadd.f32 v62, v63;
	v1, _, _ =	vpop (xrf2)  }
0x77: {  	[tilespmem:s17+$0x10] =	vst v2;
	v1 =	vadd.f32 v1, v3  }
0x78: {  	[tilespmem:s17+$0x20] =	vst v4  }
0x79: {  	s15 =	sadd.s32 $0x800, s15;
	s14 =	sadd.s32 $0x1, s14;
	[tilespmem:s17+$0x30] =	vst v1  }
0x7a: {  	s14 =	simm.s32 $0x0  }
0x7b: {  	[hbm4b:s5+s14] =	stream.linear.scatter [tilespmem:s14], [sflag:$0x3], $0x8000, $0x38;
	[tilespmem:$0x10000] =	vst v63  }
0x7c: {  	_ =	swait.ge [sflag:s10], $0x8000  }
0x7d: {  	[sflag:s10] =	ssyncset.done $0x0  }
0x7e: {  	s15 =	simm.s32 $0x0;
	s16 =	simm.s32 $0x0;
	[sflag:s10] =	ssyncadd.s32 $0xFFFF8000  }
.LBB2_6:
0x7f: {  	s17 =	sshll.u32 s15, $0x2;
	s18 =	sand.u32 $0x7, s14  }
0x80: {  	s17 =	sand.u32 $0xFFFF0000, s17;
	s18 =	sshll.u32 s18, $0x9  }
0x81: {  	s17 =	sor.u32 s18, s17  }
0x82: {  	s17 =	sshrl.u32 s17, $0x2  }
0x83: {  	s19 =	sadd.s32 $0x8040, s17  }
0x84: {  	v1 =	vld [tilespmem:s19+$0xFFFFFFC0];
	_ =	sdelay $0x2  }
0x85: {  	v2 =	vld [tilespmem:s19+$0xFFFFFFD0];
	_ =	sdelay $0x1  }
0x86: {  	(xrf2) =	vadd.scan.msk.f32 $0xffff, v1;
	_ =	sdelay $0x1  }
0x87: {  	v1 =	vld [tilespmem:s19+$0xFFFFFFE0]  }
0x88: {  	(xrf2) =	vadd.scan.msk.f32 $0xffff, v2;
	_ =	sdelay $0x1  }
0x89: {  	v3 =	vld [tilespmem:s19+$0xFFFFFFF0];
	_ =	sdelay $0x1  }
0x8a: {  	(xrf2) =	vadd.scan.msk.f32 $0xffff, v1  }
0x8b: {  	v4 =	vld [tilespmem:s19+$0x0];
	_ =	sdelay $0x1  }
0x8c: {  	v5, _, _ =	vpop (xrf2);
	(xrf2) =	vadd.scan.msk.f32 $0xffff, v3  }
0x8d: {  	v7 =	vld [tilespmem:s19+$0x10];
	v8 =	vperm.xlane v5, v0  }
0x8e: {  	v6 =	vimm.f32 $0.0e+00;
	s18 =	sadd.s32 $0x400, s19  }
0x8f: {  	v2 =	vld [tilespmem:s18+$0xFFFFFFF0];
	v10, _, _ =	vpop (xrf2);
	(xrf2) =	vadd.scan.msk.f32 $0xffff, v4;
	v8 =	vadd.f32 v8, v6  }
0x90: {  	s20 =	sadd.s32 $0x400, s18;
	v9 =	vadd.f32 v5, v6;
	v5 =	vld [tilespmem:s19+$0x20]  }
0x91: {  	v1 =	vld [tilespmem:s20+$0xFFFFFFF0];
	v11 =	vperm.xlane v10, v0  }
0x92: {  	v4 =	vld [tilespmem:s19+$0x30];
	(xrf2) =	vadd.scan.msk.f32 $0xffff, v7;
	[tilespmem:s19+$0xFFFFFFC0] =	vst v9  }
0x93: {  	s21 =	simm.s32 $0x10;
	s17 =	smov.u32 s20;
	v3 =	vld [tilespmem:s18+$0xFFFFFFC0];
	v6 =	vadd.f32 v10, v8;
	v7 =	vadd.f32 v11, v8;
	v8, _, _ =	vpop (xrf2)  }
.LBB2_7:
0x94: {  	s21 =	sadd.s32 $0x8, s21;
	v9 =	vperm.xlane v8, v0  }
0x95: {  	p0 =	slt.u32 s21, $0x78;
	[tilespmem:s19+$0xFFFFFFD0] =	vst v6;
	v6 =	vadd.f32 v8, v7;
	(xrf2) =	vadd.scan.msk.f32 $0xffff, v5  }
0x96: {  	v5 =	vld [tilespmem:s18+$0xFFFFFFD0];
	v7 =	vadd.f32 v9, v7;
	v8, _, _ =	vpop (xrf2)  }
0x97: {  	[tilespmem:s19+$0xFFFFFFE0] =	vst v6  }
0x98: {  	v6 =	vadd.f32 v8, v7;
	(xrf2) =	vadd.scan.msk.f32 $0xffff, v4  }
0x99: {  	v4, _, _ =	vpop (xrf2)  }
0x9a: {  	v9 =	vperm.xlane v8, v0;
	[tilespmem:s19+$0xFFFFFFF0] =	vst v6  }
0x9b: {  	(xrf2) =	vadd.scan.msk.f32 $0xffff, v3;
	v3 =	vperm.xlane v4, v0  }
0x9c: {  	v7 =	vadd.f32 v9, v7;
	v6 =	vld [tilespmem:s18+$0xFFFFFFE0];
	v8, _, _ =	vpop (xrf2);
	_ =	sdelay $0x1  }
0x9d: {  	v4 =	vadd.f32 v4, v7;
	v3 =	vadd.f32 v3, v7;
	(xrf2) =	vadd.scan.msk.f32 $0xffff, v5  }
0x9e: {  	v5, _, _ =	vpop (xrf2)  }
0x9f: {  	s20 =	sadd.s32 $0x400, s20;
	v10 =	vperm.xlane v8, v0;
	v7 =	vadd.f32 v8, v3;
	[tilespmem:s19+$0x0] =	vst v4  }
0xa0: {  	v8 =	vld [tilespmem:s20+$0xFFFFFFF0];
	(xrf2) =	vadd.scan.msk.f32 $0xffff, v6;
	v6 =	vperm.xlane v5, v0  }
0xa1: {  	v3 =	vadd.f32 v10, v3;
	v9 =	vld [tilespmem:s18+$0x0];
	[tilespmem:s19+$0x10] =	vst v7;
	v4, _, _ =	vpop (xrf2)  }
0xa2: {  	v7 =	vld [tilespmem:s18+$0x10];
	v10 =	vperm.xlane v4, v0  }
0xa3: {  	v5 =	vadd.f32 v5, v3;
	v3 =	vadd.f32 v6, v3;
	(xrf2) =	vadd.scan.msk.f32 $0xffff, v2;
	v2 =	vmov v1  }
0xa4: {  	v6, _, _ =	vpop (xrf2)  }
0xa5: {  	v4 =	vadd.f32 v4, v3;
	v10 =	vadd.f32 v10, v3;
	v11 =	vperm.xlane v6, v0;
	[tilespmem:s19+$0x20] =	vst v5  }
.Ltmp2:
0xa6: {  	v1 =	vmov v8;
	(xrf2) =	vadd.scan.msk.f32 $0xffff, v9;
	(pc) =	sbr.rel @p0 .LBB2_7-.Ltmp2, $4  }
0xa7: {  	v6 =	vadd.f32 v6, v10;
	v10 =	vadd.f32 v11, v10;
	v5 =	vld [tilespmem:s18+$0x20];
	v3, _, _ =	vpop (xrf2);
	[tilespmem:s19+$0x30] =	vst v4;
	s19 =	smov.u32 s18;
	s18 =	smov.u32 s17;
	s17 =	smov.u32 s20  }
0xa8: {  	v9 =	vperm.xlane v3, v0;
	v4 =	vld [tilespmem:s19+$0x30]  }
0xa9: {  	[tilespmem:s19+$0xFFFFFFC0] =	vst v6;
	v6 =	vadd.f32 v3, v10;
	(xrf2) =	vadd.scan.msk.f32 $0xffff, v7  }
0xaa: {  	v3 =	vld [tilespmem:s18+$0xFFFFFFC0];
	v7 =	vadd.f32 v9, v10;
	v8, _, _ =	vpop (xrf2)  }
0xab: {  	v9 =	vperm.xlane v8, v0;
	_ =	sdelay $0x1  }
0xac: {  	v9 =	vadd.f32 v9, v7  }
0xad: {  	[tilespmem:s19+$0xFFFFFFD0] =	vst v6;
	v18 =	vadd.f32 v8, v7;
	v19, _, _ =	vpop (xrf2);
	(xrf2) =	vadd.scan.msk.f32 $0xffff, v5  }
0xae: {  	v20 =	vld [tilespmem:s18+$0xFFFFFFD0];
	v21 =	vadd.f32 v19, v9  }
0xaf: {  	[tilespmem:s19+$0xFFFFFFE0] =	vst v18;
	(xrf2) =	vadd.scan.msk.f32 $0xffff, v4  }
0xb0: {  	v22 =	vperm.xlane v19, v0;
	[tilespmem:s19+$0xFFFFFFF0] =	vst v21  }
0xb1: {  	v23, _, _ =	vpop (xrf2);
	(xrf2) =	vadd.scan.msk.f32 $0xffff, v3;
	v24 =	vld [tilespmem:s18+$0xFFFFFFE0]  }
0xb2: {  	v4 =	vadd.f32 v22, v9;
	v3 =	vperm.xlane v23, v0  }
0xb3: {  	(xrf2) =	vadd.scan.msk.f32 $0xffff, v20  }
0xb4: {  	v25 =	vadd.f32 v23, v4;
	v3 =	vadd.f32 v3, v4;
	v26, _, _ =	vpop (xrf2)  }
0xb5: {  	v27 =	vperm.xlane v26, v0  }
0xb6: {  	[tilespmem:s19+$0x0] =	vst v25;
	v4 =	vadd.f32 v26, v3;
	(xrf2) =	vadd.scan.msk.f32 $0xffff, v24  }
0xb7: {  	v28 =	vld [tilespmem:s18+$0x0];
	v3 =	vadd.f32 v27, v3;
	v29, _, _ =	vpop (xrf2)  }
0xb8: {  	[tilespmem:s19+$0x10] =	vst v4;
	v30 =	vperm.xlane v29, v0  }
0xb9: {  	v31 =	vld [tilespmem:s18+$0x10];
	v32, _, _ =	vpop (xrf2);
	(xrf2) =	vadd.scan.msk.f32 $0xffff, v2;
	v2 =	vadd.f32 v29, v3  }
0xba: {  	v33 =	vperm.xlane v32, v0;
	v3 =	vadd.f32 v30, v3  }
0xbb: {  	v34, _, _ =	vpop (xrf2);
	[tilespmem:s19+$0x20] =	vst v2  }
0xbc: {  	(xrf2) =	vadd.scan.msk.f32 $0xffff, v28;
	v2 =	vperm.xlane v34, v0;
	v35 =	vadd.f32 v33, v3;
	v3 =	vadd.f32 v32, v3  }
0xbd: {  	v36 =	vld [tilespmem:s18+$0x20];
	v37, _, _ =	vpop (xrf2)  }
0xbe: {  	v38 =	vperm.xlane v37, v0;
	(xrf2) =	vadd.scan.msk.f32 $0xffff, v31;
	v2 =	vadd.f32 v2, v35  }
0xbf: {  	v4 =	vadd.f32 v34, v35  }
0xc0: {  	[tilespmem:s19+$0x30] =	vst v3;
	v5 =	vadd.f32 v38, v2;
	v2 =	vadd.f32 v37, v2;
	v3, _, _ =	vpop (xrf2)  }
0xc1: {  	v39 =	vld [tilespmem:s18+$0x30];
	[tilespmem:s18+$0xFFFFFFC0] =	vst v4;
	v40 =	vperm.xlane v3, v0  }
0xc2: {  	(xrf2) =	vadd.scan.msk.f32 $0xffff, v36;
	v4 =	vld [tilespmem:s17+$0xFFFFFFC0];
	[tilespmem:s18+$0xFFFFFFD0] =	vst v2;
	v2 =	vadd.f32 v3, v5  }
0xc3: {  	v41 =	vadd.f32 v40, v5  }
0xc4: {  	v3, _, _ =	vpop (xrf2)  }
0xc5: {  	v43 =	vadd.f32 v3, v41;
	v3 =	vperm.xlane v3, v0  }
0xc6: {  	v42 =	vld [tilespmem:s17+$0xFFFFFFD0];
	[tilespmem:s18+$0xFFFFFFE0] =	vst v2;
	v2, _, _ =	vpop (xrf2)  }
0xc7: {  	(xrf2) =	vadd.scan.msk.f32 $0xffff, v39;
	v44 =	vperm.xlane v2, v0;
	v3 =	vadd.f32 v3, v41  }
0xc8: {  	v46, _, _ =	vpop (xrf2);
	[tilespmem:s18+$0xFFFFFFF0] =	vst v43  }
0xc9: {  	v47 =	vperm.xlane v46, v0;
	v45 =	vld [tilespmem:s17+$0xFFFFFFE0];
	v2 =	vadd.f32 v2, v3;
	v3 =	vadd.f32 v44, v3  }
0xca: {  	(xrf2) =	vadd.scan.msk.f32 $0xffff, v4  }
0xcb: {  	[tilespmem:s18+$0x0] =	vst v2;
	v2 =	vadd.f32 v46, v3;
	v3 =	vadd.f32 v47, v3  }
0xcc: {  	(xrf2) =	vadd.scan.msk.f32 $0xffff, v42;
	v48, _, _ =	vpop (xrf2)  }
0xcd: {  	v49 =	vld [tilespmem:s17+$0x0];
	[tilespmem:s18+$0x10] =	vst v2;
	v2 =	vadd.f32 v48, v3  }
0xce: {  	v50 =	vperm.xlane v48, v0;
	(xrf2) =	vadd.scan.msk.f32 $0xffff, v45  }
0xcf: {  	v51 =	vld [tilespmem:s17+$0x10]  }
0xd0: {  	(xrf2) =	vadd.scan.msk.f32 $0xffff, v1;
	v1 =	vadd.f32 v50, v3;
	[tilespmem:s18+$0x20] =	vst v2  }
0xd1: {  	v3 =	vld [tilespmem:s17+$0x20];
	v2, _, _ =	vpop (xrf2)  }
0xd2: {  	(xrf2) =	vadd.scan.msk.f32 $0xffff, v49;
	v6 =	vadd.f32 v2, v1  }
0xd3: {  	v2 =	vperm.xlane v2, v0  }
0xd4: {  	v52, _, _ =	vpop (xrf2);
	(xrf2) =	vadd.scan.msk.f32 $0xffff, v51;
	[tilespmem:s18+$0x30] =	vst v6  }
0xd5: {  	v53 =	vperm.xlane v52, v0;
	v1 =	vadd.f32 v2, v1;
	v2 =	vld [tilespmem:s17+$0x30]  }
0xd6: {  	v54, _, _ =	vpop (xrf2);
	(xrf2) =	vadd.scan.msk.f32 $0xffff, v3  }
0xd7: {  	v55 =	vperm.xlane v54, v0;
	v3 =	vadd.f32 v53, v1  }
0xd8: {  	v7, _, _ =	vpop (xrf2)  }
0xd9: {  	v4 =	vadd.f32 v55, v3;
	v56 =	vperm.xlane v7, v0  }
0xda: {  	v57, _, _ =	vpop (xrf2);
	(xrf2) =	vadd.scan.msk.f32 $0xffff, v2  }
0xdb: {  	v58 =	vperm.xlane v57, v0;
	v2 =	vadd.f32 v56, v4  }
0xdc: {  	v1 =	vadd.f32 v52, v1;
	v10, _, _ =	vpop (xrf2)  }
0xdd: {  	v11 =	vperm.xlane v10, v0;
	v8 =	vadd.f32 v58, v2  }
0xde: {  	[tilespmem:s17+$0xFFFFFFC0] =	vst v1;
	v1 =	vadd.f32 v7, v4;
	v59, _, _ =	vpop (xrf2)  }
0xdf: {  	v3 =	vadd.f32 v54, v3;
	v60 =	vadd.f32 v11, v8;
	v61 =	vperm.xlane v59, v0  }
0xe0: {  	[tilespmem:s17+$0xFFFFFFE0] =	vst v1;
	v1 =	vadd.f32 v10, v8;
	v62, _, _ =	vpop (xrf2)  }
0xe1: {  	s16 =	sadd.s32 $0x1, s16;
	[tilespmem:s17+$0xFFFFFFD0] =	vst v3;
	v2 =	vadd.f32 v57, v2;
	v3 =	vperm.xlane v62, v0;
	v63 =	vadd.f32 v61, v60  }
0xe2: {  	p0 =	sne.s32 s16, $0x10  }
.Ltmp3:
0xe3: {  	[tilespmem:s17+$0xFFFFFFF0] =	vst v2;
	v2 =	vadd.f32 v59, v60;
	v3 =	vadd.f32 v3, v63;
	(pc) =	sbr.rel @p0 .LBB2_6-.Ltmp3, $4  }
0xe4: {  	[tilespmem:s17+$0x0] =	vst v1;
	v4 =	vadd.f32 v62, v63;
	v1, _, _ =	vpop (xrf2)  }
0xe5: {  	[tilespmem:s17+$0x10] =	vst v2;
	v1 =	vadd.f32 v1, v3  }
0xe6: {  	[tilespmem:s17+$0x20] =	vst v4  }
0xe7: {  	s15 =	sadd.s32 $0x800, s15;
	s14 =	sadd.s32 $0x1, s14;
	[tilespmem:s17+$0x30] =	vst v1  }
0xe8: {  	[hbm4b:s6+s2] =	stream.linear.scatter [tilespmem:s9], [sflag:$0x4], $0x8000, $0x38;
	[tilespmem:$0x10000] =	vst v63  }
0xe9: {  	s13 =	sadd.s32 $0x1, s13  }
0xea: {  	_ =	swait.ge [sflag:s11], $0x8000;
	p0 =	sne.s32 s13, s7  }
.Ltmp4:
0xeb: {  	[sflag:s11] =	ssyncset.done $0x0;
	(pc) =	sbr.rel @p0 .LBB2_1-.Ltmp4, $4  }
0xec: {  	[sflag:s11] =	ssyncadd.s32 $0xFFFF8000  }
0xed: {  	_ =	swait.ge [sflag:s12], $0x8000  }
0xee: {  	[sflag:s12] =	ssyncset.done $0x0  }
0xef: {  	[sflag:s12] =	ssyncadd.s32 $0xFFFF8000  }
0xf0: {  	_ =	sfence.sel $0x180000  }
0xf1: {  	[bflag:$0x0] =	sbarrier.arrive $0xFFFF  }
0xf2: {  	p0 =	sne.s32 s1, $0x0;
	_ =	strace $0x90000047  }
0xf3: {  	s0 =	sadd.s32 @!p0 $0x100000, s0;
	[bflag:$0x2] =	sbarrier.arrive $0xFFFF  }
0xf4: {  	[sflag:s0] =	ssyncadd.tile.s32 @!p0 $0x1;
	_ =	shalt  }
.Lfunc_end2:
_tile_overlayer_lowered:
.L_overlay_start_2:
0xf5: {  	(tag) =	ssettag $0x2  }
0xf6: {  	s0 =	rddreg [dreg:$0x0];
	s2 =	stileid.u32  }
0xf7: {  	s1 =	rddreg [dreg:$0x1];
	p0 =	sne.s32 s2, $0x0  }
0xf8: {  	s3 =	rddreg [dreg:$0x2];
	[bflag:$0x3] =	sbarrier.arrive $0xFFFF;
	s2 =	simm.s32 @!p0 $0x1C05  }
0xf9: {  	[timem:s3], [sflag:s2] =	dma.local @!p0 [hbm:s0], s1  }
0xfa: {  	s0 =	simm.s32 @!p0 $0x5  }
0xfb: {  	_ =	swait.ge @!p0 [sflag:s0], s1  }
0xfc: {  	s1 =	ssub.s32 @!p0 $0x0, s1;
	[sflag:s0] =	ssyncset.done @!p0 $0x0  }
0xfd: {  	[sflag:s0] =	ssyncadd.s32 @!p0 s1  }
0xfe: {  	[bflag:$0x3] =	sbarrier.arrive $0xFFFF  }
0xff: {  	_ =	shalt  }

</sc_bundles>
